<compile_context>
chip_gen: v7x
topology: tpu7x:2x2x1
jax: 0.10.2.dev20260603
libtpu: 0.0.44.dev20260713+nightly
codegen_flags: <defaults>
</compile_context>

<pallas_src>
import functools

import jax
import jax.numpy as jnp
from jax import lax
from jax.experimental import pallas as pl
from jax.experimental.pallas import tpu as pltpu
from jax.experimental.pallas import tpu_sc as plsc

_WORKER_NUM = 1000
_TASK_NUM = 20000
_ABILITY_NUM = 128
_EDGE_TYPE = 2
_K = _TASK_NUM * _EDGE_TYPE

_NEG_BIG = -1e38

_NW = 32
_RPW = 32
_PAD_W = _NW * _RPW
_HALF = _K // 2
_LANES = 16


def _coef_body(wf_ref, w_ref, b_ref, bout_ref, zout_ref):
    z = jnp.dot(wf_ref[...], w_ref[...], preferred_element_type=jnp.float32)
    z = z + b_ref[0, 0]
    p1 = jax.nn.sigmoid(z)
    a = jnp.maximum(jnp.log(p1), _NEG_BIG)
    bl = jnp.maximum(jnp.log(1.0 - p1), _NEG_BIG)
    bout_ref[...] = jnp.broadcast_to(bl, (_PAD_W, _LANES))
    zout_ref[...] = jnp.broadcast_to(a - bl, (_PAD_W, _LANES))


def _coefs(wf_pad, W, b2):
    return pl.pallas_call(
        _coef_body,
        in_specs=[
            pl.BlockSpec((_PAD_W, _ABILITY_NUM), lambda: (0, 0)),
            pl.BlockSpec((_ABILITY_NUM, 1), lambda: (0, 0)),
            pl.BlockSpec((1, 1), lambda: (0, 0)),
        ],
        out_specs=[
            pl.BlockSpec((_PAD_W, _LANES), lambda: (0, 0)),
            pl.BlockSpec((_PAD_W, _LANES), lambda: (0, 0)),
        ],
        out_shape=[
            jax.ShapeDtypeStruct((_PAD_W, _LANES), jnp.float32),
            jax.ShapeDtypeStruct((_PAD_W, _LANES), jnp.float32),
        ],
    )(wf_pad, W, b2)


_SC_MESH = plsc.VectorSubcoreMesh(core_axis_name="c", subcore_axis_name="s")


@functools.partial(
    pl.kernel,
    out_type=jax.ShapeDtypeStruct((_WORKER_NUM, _EDGE_TYPE, _TASK_NUM),
                                  jnp.float32),
    mesh=_SC_MESH,
    scratch_types=[
        pltpu.VMEM((_TASK_NUM,), jnp.float32),
        pltpu.VMEM((_TASK_NUM,), jnp.float32),
        pltpu.VMEM((_RPW * _LANES,), jnp.float32),
        pltpu.VMEM((_RPW * _LANES,), jnp.float32),
        pltpu.VMEM((_EDGE_TYPE, _TASK_NUM), jnp.float32),
        pltpu.VMEM((_EDGE_TYPE, _TASK_NUM), jnp.float32),
        pltpu.SemaphoreType.DMA,
        pltpu.SemaphoreType.DMA,
    ],
)
def _sc_broadcast(tau0_hbm, tau1_hbm, coefb_hbm, coefz_hbm, out_hbm,
                  tau0_v, tau1_v, bv, zv, obuf0, obuf1, sem0, sem1):
    wid = lax.axis_index("s") * 2 + lax.axis_index("c")
    base_row = wid * _RPW
    pltpu.sync_copy(tau0_hbm, tau0_v)
    pltpu.sync_copy(tau1_hbm, tau1_v)
    pltpu.sync_copy(coefb_hbm.at[pl.ds(base_row * _LANES, _RPW * _LANES)], bv)
    pltpu.sync_copy(coefz_hbm.at[pl.ds(base_row * _LANES, _RPW * _LANES)], zv)

    def row_body(r, _):
        row = base_row + r

        @pl.when(row < _WORKER_NUM)
        def _():
            bs = bv[pl.ds(r * _LANES, _LANES)]
            zs = zv[pl.ds(r * _LANES, _LANES)]
            for par, obuf, sem in ((0, obuf0, sem0), (1, obuf1, sem1)):

                @pl.when((r & 1) == par)
                def _():
                    @pl.when(r > 1)
                    def _():
                        pltpu.make_async_copy(obuf, out_hbm.at[0], sem).wait()

                    @plsc.parallel_loop(0, _TASK_NUM // _LANES, unroll=16)
                    def _(i):
                        t0 = tau0_v[pl.ds(i * _LANES, _LANES)]
                        obuf[0, pl.ds(i * _LANES, _LANES)] = jnp.exp(bs + zs * t0)

                    @plsc.parallel_loop(0, _TASK_NUM // _LANES, unroll=16)
                    def _(i):
                        t1 = tau1_v[pl.ds(i * _LANES, _LANES)]
                        obuf[1, pl.ds(i * _LANES, _LANES)] = jnp.exp(bs + zs * t1)

                    pltpu.async_copy(obuf, out_hbm.at[row], sem)
        return 0

    lax.fori_loop(0, _RPW, row_body, 0)
    pltpu.make_async_copy(obuf0, out_hbm.at[0], sem0).wait()
    pltpu.make_async_copy(obuf1, out_hbm.at[0], sem1).wait()


@jax.jit
def kernel(inputs, W, b, P0):
    wf = inputs[:_WORKER_NUM, :_ABILITY_NUM]
    task_feature = inputs[_WORKER_NUM:_WORKER_NUM + _TASK_NUM, :_EDGE_TYPE]
    tau0 = task_feature[:, 0]
    tau1 = task_feature[:, 1]
    wf_pad = jnp.pad(wf, ((0, _PAD_W - _WORKER_NUM), (0, 0)))
    coef_b, coef_z = _coefs(wf_pad, W, b.reshape(1, 1))
    out = _sc_broadcast(tau0, tau1, coef_b.reshape(_PAD_W * _LANES),
                        coef_z.reshape(_PAD_W * _LANES))
    return jnp.transpose(out, (0, 2, 1))

# --- scband reference (transcript-rebuilt; emitter-appended) ---
"""Pipeline reference for scband-decoder-9139690405992 (READ-ONLY COPY).

The authoritative reference and input builder live on the scoring server;
editing this copy changes nothing except your own understanding.
"""

import jax, jax.numpy as jnp
import numpy as np

WORKER_NUM = 1000
TASK_NUM = 20000
ABILITY_NUM = 128
EDGE_TYPE = 2


def setup_inputs(seed: int = 0) -> dict:
    key = jax.random.key(seed)
    k1, k2, k3, k4 = jax.random.split(key, 4)
    # forward input: stacked worker features then task features
    inputs = jax.random.uniform(k1, (WORKER_NUM + TASK_NUM, ABILITY_NUM), dtype=jnp.float32)
    # learned params per __init__: W [ability_num, 1], b [1]
    W = jax.random.normal(k2, (ABILITY_NUM, 1), dtype=jnp.float32)
    b = jax.random.normal(k3, (1,), dtype=jnp.float32)
    # self.P buffer: random normal [input_dim[0], input_dim[1], 2]
    P0 = jax.random.normal(k4, (WORKER_NUM, TASK_NUM, 2), dtype=jnp.float32)
    return {"inputs": inputs, "W": W, "b": b, "P0": P0}


def reference(inputs, W, b, P0):
    # worker_feature = inputs[0:worker_num, 0:ability_num]
    worker_feature = inputs[:WORKER_NUM, :ABILITY_NUM]
    # task_feature = inputs[worker_num:, 0:edge_type]  (tau probabilities per task/label)
    task_feature = inputs[WORKER_NUM:WORKER_NUM + TASK_NUM, :EDGE_TYPE]
    # prob_part1 = sigmoid(worker_feature . W + b)  -> per-worker scalar ability prob
    prob_part1 = jax.nn.sigmoid(worker_feature @ W + b)  # [worker_num, 1]
    # prob_part2 = (1 - prob_part1) / (edge_type - 1)
    prob_part2 = (1.0 - prob_part1) / float(EDGE_TYPE - 1)  # [worker_num, 1]
    tau = task_feature[None, :, :]            # [1, task_num, edge_type]
    p1 = prob_part1[:, None, :]               # [worker_num, 1, 1]
    p2 = prob_part2[:, None, :]               # [worker_num, 1, 1]
    # P[i, j, l] = prob_part1^tau * prob_part2^(1 - tau)  (vectorized triple while_loop)
    vals = jnp.power(p1, tau) * jnp.power(p2, 1.0 - tau)  # [worker_num, task_num, edge_type]
    # scatter-overwrite into the P memory buffer
    P = P0.at[:WORKER_NUM, :TASK_NUM, :EDGE_TYPE].set(vals)
    return P

if __name__ == "__main__":
    import jax
    _d = setup_inputs()
    print(jax.jit(kernel)(*tuple(_d.values())))

</pallas_src>

<mosaic_0001>
#map = affine_map<(d0, d1) -> (0)>
#map1 = affine_map<(d0, d1) -> (0, 0, 0)>
module attributes {stable_mosaic.version = 14 : i64} {
  func.func @_sc_broadcast(%arg0: i32, %arg1: i32, %arg2: memref<20000xf32, #tpu.memory_space<hbm>>, %arg3: memref<20000xf32, #tpu.memory_space<hbm>>, %arg4: memref<16384xf32, #tpu.memory_space<hbm>>, %arg5: memref<16384xf32, #tpu.memory_space<hbm>>, %arg6: memref<1000x2x20000xf32, #tpu.memory_space<hbm>>, %arg7: memref<20000xf32, #tpu.memory_space<vmem>>, %arg8: memref<20000xf32, #tpu.memory_space<vmem>>, %arg9: memref<512xf32, #tpu.memory_space<vmem>>, %arg10: memref<512xf32, #tpu.memory_space<vmem>>, %arg11: memref<2x20000xf32, #tpu.memory_space<vmem>>, %arg12: memref<2x20000xf32, #tpu.memory_space<vmem>>, %arg13: memref<!tpu.dma_semaphore, #tpu.memory_space<semaphore_mem>>, %arg14: memref<!tpu.dma_semaphore, #tpu.memory_space<semaphore_mem>>) attributes {dimension_semantics = [#tpu.dimension_semantics<core_parallel>, #tpu.dimension_semantics<subcore_parallel>], iteration_bounds = array<i64: 2, 16>, scalar_prefetch = 0 : i64, scratch_operands = 8 : i64, tpu.core_type = #tpu.core_type<sc_vector_subcore>, window_params = [{transform_indices = #map}, {transform_indices = #map}, {transform_indices = #map}, {transform_indices = #map}, {transform_indices = #map1}]} {
    %mul3A = arith.constant 2 : i32
    %mul3A_0 = arith.muli %arg1, %mul3A : i32
    %add3A = arith.addi %mul3A_0, %arg0 : i32
    %mul3A_1 = arith.constant 32 : i32
    %mul3A_2 = arith.muli %add3A, %mul3A_1 : i32
    "tpu.region"() ({
      %run_scoped3A = tpu.sem_alloc : memref<!tpu.dma_semaphore, #tpu.memory_space<semaphore_mem>>
      tpu.enqueue_dma source(%arg2 : memref<20000xf32, #tpu.memory_space<hbm>>) target(%arg7 : memref<20000xf32, #tpu.memory_space<vmem>>) target_semaphore(%run_scoped3A : memref<!tpu.dma_semaphore, #tpu.memory_space<semaphore_mem>>)
      tpu.wait_dma2 semaphore(%run_scoped3A : memref<!tpu.dma_semaphore, #tpu.memory_space<semaphore_mem>>) src(%arg2 : memref<20000xf32, #tpu.memory_space<hbm>>) dst(%arg7 : memref<20000xf32, #tpu.memory_space<vmem>>)
      tpu.yield
    }) : () -> ()
    "tpu.region"() ({
      %run_scoped3A = tpu.sem_alloc : memref<!tpu.dma_semaphore, #tpu.memory_space<semaphore_mem>>
      tpu.enqueue_dma source(%arg3 : memref<20000xf32, #tpu.memory_space<hbm>>) target(%arg8 : memref<20000xf32, #tpu.memory_space<vmem>>) target_semaphore(%run_scoped3A : memref<!tpu.dma_semaphore, #tpu.memory_space<semaphore_mem>>)
      tpu.wait_dma2 semaphore(%run_scoped3A : memref<!tpu.dma_semaphore, #tpu.memory_space<semaphore_mem>>) src(%arg3 : memref<20000xf32, #tpu.memory_space<hbm>>) dst(%arg8 : memref<20000xf32, #tpu.memory_space<vmem>>)
      tpu.yield
    }) : () -> ()
    %mul3A_3 = arith.constant 16 : i32
    %mul3A_4 = arith.muli %mul3A_2, %mul3A_3 : i32
    "tpu.region"() ({
      %run_scoped3A = tpu.sem_alloc : memref<!tpu.dma_semaphore, #tpu.memory_space<semaphore_mem>>
      %dma_start3A = tpu.memref_slice %arg4[%mul3A_4] : memref<16384xf32, #tpu.memory_space<hbm>> -> memref<512xf32, #tpu.memory_space<hbm>>
      %dma_start3A_30 = tpu.memref_slice %arg4[%mul3A_4] : memref<16384xf32, #tpu.memory_space<hbm>> -> memref<512xf32, #tpu.memory_space<hbm>>
      tpu.enqueue_dma source(%dma_start3A_30 : memref<512xf32, #tpu.memory_space<hbm>>) target(%arg9 : memref<512xf32, #tpu.memory_space<vmem>>) target_semaphore(%run_scoped3A : memref<!tpu.dma_semaphore, #tpu.memory_space<semaphore_mem>>)
      %dma_wait3A_31 = tpu.memref_slice %arg4[%mul3A_4] : memref<16384xf32, #tpu.memory_space<hbm>> -> memref<512xf32, #tpu.memory_space<hbm>>
      %dma_wait3A_32 = tpu.memref_slice %arg4[%mul3A_4] : memref<16384xf32, #tpu.memory_space<hbm>> -> memref<512xf32, #tpu.memory_space<hbm>>
      tpu.wait_dma2 semaphore(%run_scoped3A : memref<!tpu.dma_semaphore, #tpu.memory_space<semaphore_mem>>) src(%dma_wait3A_32 : memref<512xf32, #tpu.memory_space<hbm>>) dst(%arg9 : memref<512xf32, #tpu.memory_space<vmem>>)
      tpu.yield
    }) : () -> ()
    %mul3A_5 = arith.constant 16 : i32
    %mul3A_6 = arith.muli %mul3A_2, %mul3A_5 : i32
    "tpu.region"() ({
      %run_scoped3A = tpu.sem_alloc : memref<!tpu.dma_semaphore, #tpu.memory_space<semaphore_mem>>
      %dma_start3A = tpu.memref_slice %arg5[%mul3A_6] : memref<16384xf32, #tpu.memory_space<hbm>> -> memref<512xf32, #tpu.memory_space<hbm>>
      %dma_start3A_30 = tpu.memref_slice %arg5[%mul3A_6] : memref<16384xf32, #tpu.memory_space<hbm>> -> memref<512xf32, #tpu.memory_space<hbm>>
      tpu.enqueue_dma source(%dma_start3A_30 : memref<512xf32, #tpu.memory_space<hbm>>) target(%arg10 : memref<512xf32, #tpu.memory_space<vmem>>) target_semaphore(%run_scoped3A : memref<!tpu.dma_semaphore, #tpu.memory_space<semaphore_mem>>)
      %dma_wait3A_31 = tpu.memref_slice %arg5[%mul3A_6] : memref<16384xf32, #tpu.memory_space<hbm>> -> memref<512xf32, #tpu.memory_space<hbm>>
      %dma_wait3A_32 = tpu.memref_slice %arg5[%mul3A_6] : memref<16384xf32, #tpu.memory_space<hbm>> -> memref<512xf32, #tpu.memory_space<hbm>>
      tpu.wait_dma2 semaphore(%run_scoped3A : memref<!tpu.dma_semaphore, #tpu.memory_space<semaphore_mem>>) src(%dma_wait3A_32 : memref<512xf32, #tpu.memory_space<hbm>>) dst(%arg10 : memref<512xf32, #tpu.memory_space<vmem>>)
      tpu.yield
    }) : () -> ()
    %scan3A = arith.constant 0 : i32
    %scan3A_7 = arith.constant 0 : i32
    %scan3A_8 = arith.constant 32 : i32
    %scan3A_9 = arith.addi %scan3A_7, %scan3A_8 : i32
    %scan3A_10 = arith.constant 1 : i32
    %scan3A_11 = scf.for %scan3A_30 = %scan3A_7 to %scan3A_9 step %scan3A_10 iter_args(%scan3A_31 = %scan3A) -> (i32)  : i32 {
      %add3A_32 = arith.addi %mul3A_2, %scan3A_30 : i32
      %lt3A = arith.constant 1000 : i32
      %lt3A_33 = arith.cmpi slt, %add3A_32, %lt3A : i32
      %convert_element_type3A = arith.extui %lt3A_33 : i1 to i32
      %cond3A = arith.constant 0 : i32
      %cond3A_34 = arith.cmpi ne, %convert_element_type3A, %cond3A : i32
      scf.if %cond3A_34 {
        %mul3A_36 = arith.constant 16 : i32
        %mul3A_37 = arith.muli %scan3A_30, %mul3A_36 : i32
        %get3A = arith.index_cast %mul3A_37 : i32 to index
        %get3A_38 = tpu.vector_load %arg9[%get3A] {strides = array<i32>} : memref<512xf32, #tpu.memory_space<vmem>>, vector<16xf32>,
        %get3A_39 = vector.shape_cast %get3A_38 : vector<16xf32> to vector<16xf32>
        %mul3A_40 = arith.constant 16 : i32
        %mul3A_41 = arith.muli %scan3A_30, %mul3A_40 : i32
        %get3A_42 = arith.index_cast %mul3A_41 : i32 to index
        %get3A_43 = tpu.vector_load %arg10[%get3A_42] {strides = array<i32>} : memref<512xf32, #tpu.memory_space<vmem>>, vector<16xf32>,
        %get3A_44 = vector.shape_cast %get3A_43 : vector<16xf32> to vector<16xf32>
        %and3A = arith.constant 1 : i32
        %and3A_45 = arith.andi %scan3A_30, %and3A : i32
        %eq3A = arith.constant 0 : i32
        %eq3A_46 = arith.cmpi eq, %and3A_45, %eq3A : i32
        %convert_element_type3A_47 = arith.extui %eq3A_46 : i1 to i32
        %cond3A_48 = arith.constant 0 : i32
        %cond3A_49 = arith.cmpi ne, %convert_element_type3A_47, %cond3A_48 : i32
        scf.if %cond3A_49 {
          %gt3A = arith.constant 1 : i32
          %gt3A_57 = arith.cmpi sgt, %scan3A_30, %gt3A : i32
          %convert_element_type3A_58 = arith.extui %gt3A_57 : i1 to i32
          %cond3A_59 = arith.constant 0 : i32
          %cond3A_60 = arith.cmpi ne, %convert_element_type3A_58, %cond3A_59 : i32
          scf.if %cond3A_60 {
            %dma_wait3A_73 = arith.constant 0 : i32
            %dma_wait3A_74 = arith.constant 0 : i32
            %dma_wait3A_75 = arith.constant 0 : i32
            %dma_wait3A_76 = tpu.memref_slice %arg6[%dma_wait3A_73, %dma_wait3A_74, %dma_wait3A_75] : memref<1000x2x20000xf32, #tpu.memory_space<hbm>> -> memref<1x2x20000xf32, #tpu.memory_space<hbm>>
            %dma_wait3A_77 = tpu.memref_squeeze %dma_wait3A_76 : memref<1x2x20000xf32, #tpu.memory_space<hbm>> -> memref<2x20000xf32, #tpu.memory_space<hbm>>
            %dma_wait3A_78 = arith.constant 0 : i32
            %dma_wait3A_79 = arith.constant 0 : i32
            %dma_wait3A_80 = tpu.memref_slice %arg6[%dma_wait3A_73, %dma_wait3A_78, %dma_wait3A_79] : memref<1000x2x20000xf32, #tpu.memory_space<hbm>> -> memref<1x2x20000xf32, #tpu.memory_space<hbm>>
            %dma_wait3A_81 = tpu.memref_squeeze %dma_wait3A_80 : memref<1x2x20000xf32, #tpu.memory_space<hbm>> -> memref<2x20000xf32, #tpu.memory_space<hbm>>
            tpu.wait_dma2 semaphore(%arg13 : memref<!tpu.dma_semaphore, #tpu.memory_space<semaphore_mem>>) src(%arg11 : memref<2x20000xf32, #tpu.memory_space<vmem>>) dst(%dma_wait3A_81 : memref<2x20000xf32, #tpu.memory_space<hbm>>)
          } else {
          }
          %parallel_loop3A = arith.constant 0 : i32
          %parallel_loop3A_61 = arith.constant 1250 : i32
          %parallel_loop3A_62 = arith.constant 1 : i32
          scf.for %parallel_loop3A_73 = %parallel_loop3A to %parallel_loop3A_61 step %parallel_loop3A_62  : i32 {
            %parallel_loop3A_74 = arith.constant 16 : i32
            %parallel_loop3A_75 = arith.muli %parallel_loop3A_73, %parallel_loop3A_74 : i32
            %parallel_loop3A_76 = arith.index_cast %parallel_loop3A_75 : i32 to index
            %parallel_loop3A_77 = tpu.vector_load %arg7[%parallel_loop3A_76] {strides = array<i32>} : memref<20000xf32, #tpu.memory_space<vmem>>, vector<16xf32>,
            %parallel_loop3A_78 = vector.shape_cast %parallel_loop3A_77 : vector<16xf32> to vector<16xf32>
            %parallel_loop3A_79 = arith.mulf %get3A_44, %parallel_loop3A_78 : vector<16xf32>
            %parallel_loop3A_80 = arith.addf %get3A_39, %parallel_loop3A_79 : vector<16xf32>
            %parallel_loop3A_81 = math.exp %parallel_loop3A_80 : vector<16xf32>
            %parallel_loop3A_82 = arith.constant 16 : i32
            %parallel_loop3A_83 = arith.muli %parallel_loop3A_73, %parallel_loop3A_82 : i32
            %parallel_loop3A_84 = arith.constant 0 : i32
            %parallel_loop3A_85 = arith.index_cast %parallel_loop3A_84 : i32 to index
            %parallel_loop3A_86 = arith.index_cast %parallel_loop3A_83 : i32 to index
            %parallel_loop3A_87 = tpu.vector_load %arg11[%parallel_loop3A_85, %parallel_loop3A_86] {strides = array<i32>} : memref<2x20000xf32, #tpu.memory_space<vmem>>, vector<1x16xf32>,
            %parallel_loop3A_88 = vector.shape_cast %parallel_loop3A_87 : vector<1x16xf32> to vector<16xf32>
            %parallel_loop3A_89 = vector.shape_cast %parallel_loop3A_81 : vector<16xf32> to vector<1x16xf32>
            tpu.vector_store %arg11[%parallel_loop3A_85, %parallel_loop3A_86], %parallel_loop3A_89 {strides = array<i32>} : memref<2x20000xf32, #tpu.memory_space<vmem>>, vector<1x16xf32>,
          } {sc.loop_unroll_factor = 16 : i64, sc.parallel_access}
          %parallel_loop3A_63 = arith.constant 0 : i32
          %parallel_loop3A_64 = arith.constant 1250 : i32
          %parallel_loop3A_65 = arith.constant 1 : i32
          scf.for %parallel_loop3A_73 = %parallel_loop3A_63 to %parallel_loop3A_64 step %parallel_loop3A_65  : i32 {
            %parallel_loop3A_74 = arith.constant 16 : i32
            %parallel_loop3A_75 = arith.muli %parallel_loop3A_73, %parallel_loop3A_74 : i32
            %parallel_loop3A_76 = arith.index_cast %parallel_loop3A_75 : i32 to index
            %parallel_loop3A_77 = tpu.vector_load %arg8[%parallel_loop3A_76] {strides = array<i32>} : memref<20000xf32, #tpu.memory_space<vmem>>, vector<16xf32>,
            %parallel_loop3A_78 = vector.shape_cast %parallel_loop3A_77 : vector<16xf32> to vector<16xf32>
            %parallel_loop3A_79 = arith.mulf %get3A_44, %parallel_loop3A_78 : vector<16xf32>
            %parallel_loop3A_80 = arith.addf %get3A_39, %parallel_loop3A_79 : vector<16xf32>
            %parallel_loop3A_81 = math.exp %parallel_loop3A_80 : vector<16xf32>
            %parallel_loop3A_82 = arith.constant 16 : i32
            %parallel_loop3A_83 = arith.muli %parallel_loop3A_73, %parallel_loop3A_82 : i32
            %parallel_loop3A_84 = arith.constant 1 : i32
            %parallel_loop3A_85 = arith.index_cast %parallel_loop3A_84 : i32 to index
            %parallel_loop3A_86 = arith.index_cast %parallel_loop3A_83 : i32 to index
            %parallel_loop3A_87 = tpu.vector_load %arg11[%parallel_loop3A_85, %parallel_loop3A_86] {strides = array<i32>} : memref<2x20000xf32, #tpu.memory_space<vmem>>, vector<1x16xf32>,
            %parallel_loop3A_88 = vector.shape_cast %parallel_loop3A_87 : vector<1x16xf32> to vector<16xf32>
            %parallel_loop3A_89 = vector.shape_cast %parallel_loop3A_81 : vector<16xf32> to vector<1x16xf32>
            tpu.vector_store %arg11[%parallel_loop3A_85, %parallel_loop3A_86], %parallel_loop3A_89 {strides = array<i32>} : memref<2x20000xf32, #tpu.memory_space<vmem>>, vector<1x16xf32>,
          } {sc.loop_unroll_factor = 16 : i64, sc.parallel_access}
          %dma_start3A = arith.constant 0 : i32
          %dma_start3A_66 = arith.constant 0 : i32
          %dma_start3A_67 = tpu.memref_slice %arg6[%add3A_32, %dma_start3A, %dma_start3A_66] : memref<1000x2x20000xf32, #tpu.memory_space<hbm>> -> memref<1x2x20000xf32, #tpu.memory_space<hbm>>
          %dma_start3A_68 = tpu.memref_squeeze %dma_start3A_67 : memref<1x2x20000xf32, #tpu.memory_space<hbm>> -> memref<2x20000xf32, #tpu.memory_space<hbm>>
          %dma_start3A_69 = arith.constant 0 : i32
          %dma_start3A_70 = arith.constant 0 : i32
          %dma_start3A_71 = tpu.memref_slice %arg6[%add3A_32, %dma_start3A_69, %dma_start3A_70] : memref<1000x2x20000xf32, #tpu.memory_space<hbm>> -> memref<1x2x20000xf32, #tpu.memory_space<hbm>>
          %dma_start3A_72 = tpu.memref_squeeze %dma_start3A_71 : memref<1x2x20000xf32, #tpu.memory_space<hbm>> -> memref<2x20000xf32, #tpu.memory_space<hbm>>
          tpu.enqueue_dma source(%arg11 : memref<2x20000xf32, #tpu.memory_space<vmem>>) target(%dma_start3A_72 : memref<2x20000xf32, #tpu.memory_space<hbm>>) target_semaphore(%arg13 : memref<!tpu.dma_semaphore, #tpu.memory_space<semaphore_mem>>)
        } else {
        }
        %and3A_50 = arith.constant 1 : i32
        %and3A_51 = arith.andi %scan3A_30, %and3A_50 : i32
        %eq3A_52 = arith.constant 1 : i32
        %eq3A_53 = arith.cmpi eq, %and3A_51, %eq3A_52 : i32
        %convert_element_type3A_54 = arith.extui %eq3A_53 : i1 to i32
        %cond3A_55 = arith.constant 0 : i32
        %cond3A_56 = arith.cmpi ne, %convert_element_type3A_54, %cond3A_55 : i32
        scf.if %cond3A_56 {
          %gt3A = arith.constant 1 : i32
          %gt3A_57 = arith.cmpi sgt, %scan3A_30, %gt3A : i32
          %convert_element_type3A_58 = arith.extui %gt3A_57 : i1 to i32
          %cond3A_59 = arith.constant 0 : i32
          %cond3A_60 = arith.cmpi ne, %convert_element_type3A_58, %cond3A_59 : i32
          scf.if %cond3A_60 {
            %dma_wait3A_73 = arith.constant 0 : i32
            %dma_wait3A_74 = arith.constant 0 : i32
            %dma_wait3A_75 = arith.constant 0 : i32
            %dma_wait3A_76 = tpu.memref_slice %arg6[%dma_wait3A_73, %dma_wait3A_74, %dma_wait3A_75] : memref<1000x2x20000xf32, #tpu.memory_space<hbm>> -> memref<1x2x20000xf32, #tpu.memory_space<hbm>>
            %dma_wait3A_77 = tpu.memref_squeeze %dma_wait3A_76 : memref<1x2x20000xf32, #tpu.memory_space<hbm>> -> memref<2x20000xf32, #tpu.memory_space<hbm>>
            %dma_wait3A_78 = arith.constant 0 : i32
            %dma_wait3A_79 = arith.constant 0 : i32
            %dma_wait3A_80 = tpu.memref_slice %arg6[%dma_wait3A_73, %dma_wait3A_78, %dma_wait3A_79] : memref<1000x2x20000xf32, #tpu.memory_space<hbm>> -> memref<1x2x20000xf32, #tpu.memory_space<hbm>>
            %dma_wait3A_81 = tpu.memref_squeeze %dma_wait3A_80 : memref<1x2x20000xf32, #tpu.memory_space<hbm>> -> memref<2x20000xf32, #tpu.memory_space<hbm>>
            tpu.wait_dma2 semaphore(%arg14 : memref<!tpu.dma_semaphore, #tpu.memory_space<semaphore_mem>>) src(%arg12 : memref<2x20000xf32, #tpu.memory_space<vmem>>) dst(%dma_wait3A_81 : memref<2x20000xf32, #tpu.memory_space<hbm>>)
          } else {
          }
          %parallel_loop3A = arith.constant 0 : i32
          %parallel_loop3A_61 = arith.constant 1250 : i32
          %parallel_loop3A_62 = arith.constant 1 : i32
          scf.for %parallel_loop3A_73 = %parallel_loop3A to %parallel_loop3A_61 step %parallel_loop3A_62  : i32 {
            %parallel_loop3A_74 = arith.constant 16 : i32
            %parallel_loop3A_75 = arith.muli %parallel_loop3A_73, %parallel_loop3A_74 : i32
            %parallel_loop3A_76 = arith.index_cast %parallel_loop3A_75 : i32 to index
            %parallel_loop3A_77 = tpu.vector_load %arg7[%parallel_loop3A_76] {strides = array<i32>} : memref<20000xf32, #tpu.memory_space<vmem>>, vector<16xf32>,
            %parallel_loop3A_78 = vector.shape_cast %parallel_loop3A_77 : vector<16xf32> to vector<16xf32>
            %parallel_loop3A_79 = arith.mulf %get3A_44, %parallel_loop3A_78 : vector<16xf32>
            %parallel_loop3A_80 = arith.addf %get3A_39, %parallel_loop3A_79 : vector<16xf32>
            %parallel_loop3A_81 = math.exp %parallel_loop3A_80 : vector<16xf32>
            %parallel_loop3A_82 = arith.constant 16 : i32
            %parallel_loop3A_83 = arith.muli %parallel_loop3A_73, %parallel_loop3A_82 : i32
            %parallel_loop3A_84 = arith.constant 0 : i32
            %parallel_loop3A_85 = arith.index_cast %parallel_loop3A_84 : i32 to index
            %parallel_loop3A_86 = arith.index_cast %parallel_loop3A_83 : i32 to index
            %parallel_loop3A_87 = tpu.vector_load %arg12[%parallel_loop3A_85, %parallel_loop3A_86] {strides = array<i32>} : memref<2x20000xf32, #tpu.memory_space<vmem>>, vector<1x16xf32>,
            %parallel_loop3A_88 = vector.shape_cast %parallel_loop3A_87 : vector<1x16xf32> to vector<16xf32>
            %parallel_loop3A_89 = vector.shape_cast %parallel_loop3A_81 : vector<16xf32> to vector<1x16xf32>
            tpu.vector_store %arg12[%parallel_loop3A_85, %parallel_loop3A_86], %parallel_loop3A_89 {strides = array<i32>} : memref<2x20000xf32, #tpu.memory_space<vmem>>, vector<1x16xf32>,
          } {sc.loop_unroll_factor = 16 : i64, sc.parallel_access}
          %parallel_loop3A_63 = arith.constant 0 : i32
          %parallel_loop3A_64 = arith.constant 1250 : i32
          %parallel_loop3A_65 = arith.constant 1 : i32
          scf.for %parallel_loop3A_73 = %parallel_loop3A_63 to %parallel_loop3A_64 step %parallel_loop3A_65  : i32 {
            %parallel_loop3A_74 = arith.constant 16 : i32
            %parallel_loop3A_75 = arith.muli %parallel_loop3A_73, %parallel_loop3A_74 : i32
            %parallel_loop3A_76 = arith.index_cast %parallel_loop3A_75 : i32 to index
            %parallel_loop3A_77 = tpu.vector_load %arg8[%parallel_loop3A_76] {strides = array<i32>} : memref<20000xf32, #tpu.memory_space<vmem>>, vector<16xf32>,
            %parallel_loop3A_78 = vector.shape_cast %parallel_loop3A_77 : vector<16xf32> to vector<16xf32>
            %parallel_loop3A_79 = arith.mulf %get3A_44, %parallel_loop3A_78 : vector<16xf32>
            %parallel_loop3A_80 = arith.addf %get3A_39, %parallel_loop3A_79 : vector<16xf32>
            %parallel_loop3A_81 = math.exp %parallel_loop3A_80 : vector<16xf32>
            %parallel_loop3A_82 = arith.constant 16 : i32
            %parallel_loop3A_83 = arith.muli %parallel_loop3A_73, %parallel_loop3A_82 : i32
            %parallel_loop3A_84 = arith.constant 1 : i32
            %parallel_loop3A_85 = arith.index_cast %parallel_loop3A_84 : i32 to index
            %parallel_loop3A_86 = arith.index_cast %parallel_loop3A_83 : i32 to index
            %parallel_loop3A_87 = tpu.vector_load %arg12[%parallel_loop3A_85, %parallel_loop3A_86] {strides = array<i32>} : memref<2x20000xf32, #tpu.memory_space<vmem>>, vector<1x16xf32>,
            %parallel_loop3A_88 = vector.shape_cast %parallel_loop3A_87 : vector<1x16xf32> to vector<16xf32>
            %parallel_loop3A_89 = vector.shape_cast %parallel_loop3A_81 : vector<16xf32> to vector<1x16xf32>
            tpu.vector_store %arg12[%parallel_loop3A_85, %parallel_loop3A_86], %parallel_loop3A_89 {strides = array<i32>} : memref<2x20000xf32, #tpu.memory_space<vmem>>, vector<1x16xf32>,
          } {sc.loop_unroll_factor = 16 : i64, sc.parallel_access}
          %dma_start3A = arith.constant 0 : i32
          %dma_start3A_66 = arith.constant 0 : i32
          %dma_start3A_67 = tpu.memref_slice %arg6[%add3A_32, %dma_start3A, %dma_start3A_66] : memref<1000x2x20000xf32, #tpu.memory_space<hbm>> -> memref<1x2x20000xf32, #tpu.memory_space<hbm>>
          %dma_start3A_68 = tpu.memref_squeeze %dma_start3A_67 : memref<1x2x20000xf32, #tpu.memory_space<hbm>> -> memref<2x20000xf32, #tpu.memory_space<hbm>>
          %dma_start3A_69 = arith.constant 0 : i32
          %dma_start3A_70 = arith.constant 0 : i32
          %dma_start3A_71 = tpu.memref_slice %arg6[%add3A_32, %dma_start3A_69, %dma_start3A_70] : memref<1000x2x20000xf32, #tpu.memory_space<hbm>> -> memref<1x2x20000xf32, #tpu.memory_space<hbm>>
          %dma_start3A_72 = tpu.memref_squeeze %dma_start3A_71 : memref<1x2x20000xf32, #tpu.memory_space<hbm>> -> memref<2x20000xf32, #tpu.memory_space<hbm>>
          tpu.enqueue_dma source(%arg12 : memref<2x20000xf32, #tpu.memory_space<vmem>>) target(%dma_start3A_72 : memref<2x20000xf32, #tpu.memory_space<hbm>>) target_semaphore(%arg14 : memref<!tpu.dma_semaphore, #tpu.memory_space<semaphore_mem>>)
        } else {
        }
      } else {
      }
      %scan3A_35 = arith.constant 0 : i32
      scf.yield %scan3A_35 : i32
    }
    %scan3A_12 = arith.constant 32 : i32
    %dma_wait3A = arith.constant 0 : i32
    %dma_wait3A_13 = arith.constant 0 : i32
    %dma_wait3A_14 = arith.constant 0 : i32
    %dma_wait3A_15 = tpu.memref_slice %arg6[%dma_wait3A, %dma_wait3A_13, %dma_wait3A_14] : memref<1000x2x20000xf32, #tpu.memory_space<hbm>> -> memref<1x2x20000xf32, #tpu.memory_space<hbm>>
    %dma_wait3A_16 = tpu.memref_squeeze %dma_wait3A_15 : memref<1x2x20000xf32, #tpu.memory_space<hbm>> -> memref<2x20000xf32, #tpu.memory_space<hbm>>
    %dma_wait3A_17 = arith.constant 0 : i32
    %dma_wait3A_18 = arith.constant 0 : i32
    %dma_wait3A_19 = tpu.memref_slice %arg6[%dma_wait3A, %dma_wait3A_17, %dma_wait3A_18] : memref<1000x2x20000xf32, #tpu.memory_space<hbm>> -> memref<1x2x20000xf32, #tpu.memory_space<hbm>>
    %dma_wait3A_20 = tpu.memref_squeeze %dma_wait3A_19 : memref<1x2x20000xf32, #tpu.memory_space<hbm>> -> memref<2x20000xf32, #tpu.memory_space<hbm>>
    tpu.wait_dma2 semaphore(%arg13 : memref<!tpu.dma_semaphore, #tpu.memory_space<semaphore_mem>>) src(%arg11 : memref<2x20000xf32, #tpu.memory_space<vmem>>) dst(%dma_wait3A_20 : memref<2x20000xf32, #tpu.memory_space<hbm>>)
    %dma_wait3A_21 = arith.constant 0 : i32
    %dma_wait3A_22 = arith.constant 0 : i32
    %dma_wait3A_23 = arith.constant 0 : i32
    %dma_wait3A_24 = tpu.memref_slice %arg6[%dma_wait3A_21, %dma_wait3A_22, %dma_wait3A_23] : memref<1000x2x20000xf32, #tpu.memory_space<hbm>> -> memref<1x2x20000xf32, #tpu.memory_space<hbm>>
    %dma_wait3A_25 = tpu.memref_squeeze %dma_wait3A_24 : memref<1x2x20000xf32, #tpu.memory_space<hbm>> -> memref<2x20000xf32, #tpu.memory_space<hbm>>
    %dma_wait3A_26 = arith.constant 0 : i32
    %dma_wait3A_27 = arith.constant 0 : i32
    %dma_wait3A_28 = tpu.memref_slice %arg6[%dma_wait3A_21, %dma_wait3A_26, %dma_wait3A_27] : memref<1000x2x20000xf32, #tpu.memory_space<hbm>> -> memref<1x2x20000xf32, #tpu.memory_space<hbm>>
    %dma_wait3A_29 = tpu.memref_squeeze %dma_wait3A_28 : memref<1x2x20000xf32, #tpu.memory_space<hbm>> -> memref<2x20000xf32, #tpu.memory_space<hbm>>
    tpu.wait_dma2 semaphore(%arg14 : memref<!tpu.dma_semaphore, #tpu.memory_space<semaphore_mem>>) src(%arg12 : memref<2x20000xf32, #tpu.memory_space<vmem>>) dst(%dma_wait3A_29 : memref<2x20000xf32, #tpu.memory_space<hbm>>)
    return
  }
}

module attributes {stable_mosaic.version = 14 : i64} {
  func.func @_coef_body(%arg0: memref<1024x128xf32, #tpu.memory_space<vmem>>, %arg1: memref<128x1xf32, #tpu.memory_space<vmem>>, %arg2: memref<1x1xf32, #tpu.memory_space<vmem>>, %arg3: memref<1024x16xf32, #tpu.memory_space<vmem>>, %arg4: memref<1024x16xf32, #tpu.memory_space<vmem>>) attributes {dimension_semantics = [], scalar_prefetch = 0 : i64, scratch_operands = 0 : i64, tpu.core_type = #tpu.core_type<tc>} {
    %get3A = arith.constant 0 : index
    %get3A_0 = arith.constant 0 : index
    %get3A_1 = vector.load %arg0[%get3A, %get3A_0] : memref<1024x128xf32, #tpu.memory_space<vmem>>, vector<1024x128xf32>
    %get3A_2 = arith.constant 0 : index
    %get3A_3 = arith.constant 0 : index
    %get3A_4 = vector.load %arg1[%get3A_2, %get3A_3] : memref<128x1xf32, #tpu.memory_space<vmem>>, vector<128x1xf32>
    %dot_general3A = arith.constant dense<0.000000e+00> : vector<1024x1xf32>
    %dot_general3A_5 = tpu.matmul %get3A_1, %get3A_4, %dot_general3A {dimension_numbers = #tpu.dot_dimension_numbers<[1], [0], [0], [1], [0, 0, 1, 1], [], []>, transpose_lhs_hint = false} : vector<1024x128xf32>, vector<128x1xf32>, vector<1024x1xf32> -> vector<1024x1xf32>
    %get3A_6 = arith.constant 0 : index
    %get3A_7 = arith.constant 0 : index
    %get3A_8 = vector.load %arg2[%get3A_6, %get3A_7] : memref<1x1xf32, #tpu.memory_space<vmem>>, vector<1x1xf32>
    %get3A_9 = vector.extract %get3A_8[0, 0] : f32 from vector<1x1xf32>
    %add3A = vector.broadcast %get3A_9 : f32 to vector<1024x1xf32>
    %add3A_10 = arith.addf %dot_general3A_5, %add3A : vector<1024x1xf32>
    %logistic3A = arith.negf %add3A_10 : vector<1024x1xf32>
    %logistic3A_11 = math.exp %logistic3A : vector<1024x1xf32>
    %logistic3A_12 = arith.constant 1.000000e+00 : f32
    %logistic3A_13 = vector.broadcast %logistic3A_12 : f32 to vector<1024x1xf32>
    %logistic3A_14 = arith.addf %logistic3A_13, %logistic3A_11 : vector<1024x1xf32>
    %logistic3A_15 = arith.divf %logistic3A_13, %logistic3A_14 : vector<1024x1xf32>
    %log3A = math.log %logistic3A_15 : vector<1024x1xf32>
    %max3A = arith.constant -9.99999968E+37 : f32
    %max3A_16 = vector.broadcast %max3A : f32 to vector<1024x1xf32>
    %max3A_17 = arith.maximumf %log3A, %max3A_16 : vector<1024x1xf32>
    %sub3A = arith.constant 1.000000e+00 : f32
    %sub3A_18 = vector.broadcast %sub3A : f32 to vector<1024x1xf32>
    %sub3A_19 = arith.subf %sub3A_18, %logistic3A_15 : vector<1024x1xf32>
    %log3A_20 = math.log %sub3A_19 : vector<1024x1xf32>
    %max3A_21 = arith.constant -9.99999968E+37 : f32
    %max3A_22 = vector.broadcast %max3A_21 : f32 to vector<1024x1xf32>
    %max3A_23 = arith.maximumf %log3A_20, %max3A_22 : vector<1024x1xf32>
    %broadcast_in_dim3A = vector.shape_cast %max3A_23 : vector<1024x1xf32> to vector<1024x1xf32>
    %broadcast_in_dim3A_24 = vector.broadcast %broadcast_in_dim3A : vector<1024x1xf32> to vector<1024x16xf32>
    %swap3A = arith.constant 0 : index
    %swap3A_25 = arith.constant 0 : index
    %swap3A_26 = vector.load %arg3[%swap3A, %swap3A_25] : memref<1024x16xf32, #tpu.memory_space<vmem>>, vector<1024x16xf32>
    tpu.vector_store %arg3[%swap3A, %swap3A_25], %broadcast_in_dim3A_24 {strides = array<i32>} : memref<1024x16xf32, #tpu.memory_space<vmem>>, vector<1024x16xf32>,
    %sub3A_27 = arith.subf %max3A_17, %max3A_23 : vector<1024x1xf32>
    %broadcast_in_dim3A_28 = vector.shape_cast %sub3A_27 : vector<1024x1xf32> to vector<1024x1xf32>
    %broadcast_in_dim3A_29 = vector.broadcast %broadcast_in_dim3A_28 : vector<1024x1xf32> to vector<1024x16xf32>
    %swap3A_30 = arith.constant 0 : index
    %swap3A_31 = arith.constant 0 : index
    %swap3A_32 = vector.load %arg4[%swap3A_30, %swap3A_31] : memref<1024x16xf32, #tpu.memory_space<vmem>>, vector<1024x16xf32>
    tpu.vector_store %arg4[%swap3A_30, %swap3A_31], %broadcast_in_dim3A_29 {strides = array<i32>} : memref<1024x16xf32, #tpu.memory_space<vmem>>, vector<1024x16xf32>,
    return
  }
}

</mosaic_0001>

<sc_bundles>
// kernel: kernel.4.cloned.1.call-start
scs
__scs_entry_jumppad:
0x0: {  	(pc) =	sbr.rel $0x88, $3  }
0x1: {  	(tag) =	ssettag $0x0;
	lr =	simm.s32 $0x1  }
0x2: {  	[smem:$0x3F9E] =	sst lr;
	_ =	strace $0xD0000000  }
0x3: {  	_ = 	snop  }
0x4: {  	_ = 	snop  }
0x5: {  	_ = 	snop  }
0x6: {  	_ = 	snop  }
0x7: {  	_ = 	snop  }
__scs_overlays_trampoline_lowered:
0x8: {  	[smem:$0x3FAD] =	sst s0  }
0x9: {  	[smem:$0x3FAE] =	sst s1  }
0xa: {  	[smem:$0x3FAF] =	sst s2  }
0xb: {  	[smem:$0x3FB0] =	sst s3  }
0xc: {  	[smem:$0x3FB1] =	sst s4  }
0xd: {  	[smem:$0x3FB2] =	sst s5  }
0xe: {  	[smem:$0x3FB3] =	sst s6  }
0xf: {  	[smem:$0x3FB4] =	sst s7  }
0x10: {  	[smem:$0x3FB5] =	sst s8  }
0x11: {  	[smem:$0x3FB6] =	sst s9;
	s0 =	simm.s32 @!p0 $0x0  }
0x12: {  	s1 =	sld [smem:$0x3F9C];
	s0 =	simm.s32 @p0 $0x1  }
0x13: {  	[smem:$0x3FB7] =	sst s0;
	s0 =	simm.s32 @!p1 $0x0  }
0x14: {  	s2 =	sld [smem:$0x3F9B];
	s0 =	simm.s32 @p1 $0x1  }
0x15: {  	[smem:$0x3FB8] =	sst s0;
	s0 =	simm.s32 @!p2 $0x0  }
0x16: {  	s3 =	sld [smem:$0x3FDB];
	s0 =	simm.s32 @p2 $0x1  }
0x17: {  	s4 =	simm.s32 $0x1BF5;
	[smem:$0x3FBA] =	sst s0  }
0x18: {  	s0 =	sld [smem:$0x3F9D];
	_ =	swait.ge [sflag:s4], $0x0  }
0x19: {  	s7 =	sld [smem:$0x3F9E]  }
0x1a: {  	s8 =	sadd.s32 $0xFFFFE003, lr  }
0x1b: {  	s9 =	sadd.s32 $0xFFFFFEF7, lr;
	s5 =	simm.s32 $0xFFFFFFFF;
	p2 =	slt.u32 s8, $0xFFFFF086  }
0x1c: {  	p1 =	slt.u32 s9, $0xF7A;
	s5 =	simm.s32 @!p2 $0x0  }
0x1d: {  	s5 =	simm.s32 @p1 $0x1;
	p0 =	seq.s32 s7, s2  }
0x1e: {  	s7 =	smul.u32 @!p0 $0xF7A, s2;
	p2 =	seq.s32 @!p0 s5, $0x0  }
0x1f: {  	s9 =	smul.u32 $0xF7A, s1;
	s8 =	simm.s32 @!p0 $0x1BF5;
	p2 =	por !p2, p0  }
0x20: {  	[sflag:s8] =	ssyncset.s32 @!p0 $0xFFFFF086;
	s6 =	sadd.s32 @!p0 s3, s7;
	s7 =	simm.s32 @!p0 $0x108  }
0x21: {  	s3 =	sadd.s32 s3, s9;
	s6 =	sadd.s32 @!p0 $0x88, s6;
	s7 =	simm.s32 @p2 $0x1082  }
0x22: {  	[simem:s7], [sflag:s8] =	dma.local @!p0 [hbm:s6], $0xF7A  }
0x23: {  	s9 =	sor.u32 $0xD0000000, s2;
	s6 =	simm.s32 $0x108;
	_ =	swait.ge @!p0 [sflag:s8], $0x0  }
0x24: {  	s3 =	sadd.s32 $0x88, s3;
	s6 =	simm.s32 @!p1 $0x1082;
	[sflag:s4] =	ssyncset.s32 $0xFFFFF086  }
0x25: {  	[simem:s6], [sflag:s4] =	dma.local [hbm:s3], $0xF7A  }
0x26: {  	[smem:$0x3F9E] =	sst s1;
	(tag) =	ssettag s2;
	_ =	strace s9  }
0x27: {  	s1 =	sld [smem:$0x3FAE]  }
0x28: {  	s2 =	sld [smem:$0x3FAF]  }
0x29: {  	s4 =	sld [smem:$0x3FB1]  }
0x2a: {  	p0 =	seq.s32 s5, $0x0;
	s5 =	sld [smem:$0x3FB2]  }
0x2b: {  	s6 =	sld [smem:$0x3FB3]  }
0x2c: {  	s7 =	sld [smem:$0x3FB4]  }
0x2d: {  	s3 =	simm.s32 $0x108;
	s8 =	sld [smem:$0x3FB5]  }
0x2e: {  	s3 =	simm.s32 @!p0 $0x1082;
	s9 =	sld [smem:$0x3FB6]  }
0x2f: {  	lr =	sadd.s32 s0, s3;
	s0 =	sld [smem:$0x3FAD]  }
0x30: {  	s3 =	sld [smem:$0x3FB0]  }
0x31: {  	[smem:$0x3FB9] =	sst s10  }
0x32: {  	s10 =	sld [smem:$0x3FB7];
	_ =	sdelay $0x3  }
0x33: {  	p0 =	seq.s32 s10, $0x1;
	s10 =	sld [smem:$0x3FB9];
	_ =	sdelay $0x3  }
0x34: {  	[smem:$0x3FB9] =	sst s10  }
0x35: {  	s10 =	sld [smem:$0x3FB8];
	_ =	sdelay $0x3  }
0x36: {  	p1 =	seq.s32 s10, $0x1;
	s10 =	sld [smem:$0x3FB9];
	_ =	sdelay $0x3  }
0x37: {  	[smem:$0x3FB9] =	sst s10  }
0x38: {  	s10 =	sld [smem:$0x3FBA]  }
0x39: {  	_ = 	snop;
	(pc) =	sbr.ind lr, $3  }
0x3a: {  	_ = 	snop  }
0x3b: {  	_ = 	snop  }
0x3c: {  	p2 =	seq.s32 s10, $0x1;
	s10 =	sld [smem:$0x3FB9]  }
0x3d: {  	_ =	shalt  }
0x3e: {  	_ =	shalt  }
0x3f: {  	_ =	shalt  }
0x40: {  	_ =	shalt  }
0x41: {  	_ =	shalt  }
0x42: {  	_ =	shalt  }
0x43: {  	_ =	shalt  }
0x44: {  	_ =	shalt  }
0x45: {  	_ =	shalt  }
0x46: {  	_ =	shalt  }
0x47: {  	_ =	shalt  }
0x48: {  	_ =	shalt  }
0x49: {  	_ =	shalt  }
0x4a: {  	_ =	shalt  }
0x4b: {  	_ =	shalt  }
0x4c: {  	_ =	shalt  }
0x4d: {  	_ =	shalt  }
0x4e: {  	_ =	shalt  }
0x4f: {  	_ =	shalt  }
0x50: {  	_ =	shalt  }
0x51: {  	_ =	shalt  }
0x52: {  	_ =	shalt  }
0x53: {  	_ =	shalt  }
0x54: {  	_ =	shalt  }
0x55: {  	_ =	shalt  }
0x56: {  	_ =	shalt  }
0x57: {  	_ =	shalt  }
0x58: {  	_ =	shalt  }
0x59: {  	_ =	shalt  }
0x5a: {  	_ =	shalt  }
0x5b: {  	_ =	shalt  }
0x5c: {  	_ =	shalt  }
0x5d: {  	_ =	shalt  }
0x5e: {  	_ =	shalt  }
0x5f: {  	_ =	shalt  }
0x60: {  	_ =	shalt  }
0x61: {  	_ =	shalt  }
0x62: {  	_ =	shalt  }
0x63: {  	_ =	shalt  }
0x64: {  	_ =	shalt  }
0x65: {  	_ =	shalt  }
0x66: {  	_ =	shalt  }
0x67: {  	_ =	shalt  }
0x68: {  	_ =	shalt  }
0x69: {  	_ =	shalt  }
0x6a: {  	_ =	shalt  }
0x6b: {  	_ =	shalt  }
0x6c: {  	_ =	shalt  }
0x6d: {  	_ =	shalt  }
0x6e: {  	_ =	shalt  }
0x6f: {  	_ =	shalt  }
0x70: {  	_ =	shalt  }
0x71: {  	_ =	shalt  }
0x72: {  	_ =	shalt  }
0x73: {  	_ =	shalt  }
0x74: {  	_ =	shalt  }
0x75: {  	_ =	shalt  }
0x76: {  	_ =	shalt  }
0x77: {  	_ =	shalt  }
0x78: {  	_ =	shalt  }
0x79: {  	_ =	shalt  }
0x7a: {  	_ =	shalt  }
0x7b: {  	_ =	shalt  }
0x7c: {  	_ =	shalt  }
0x7d: {  	_ =	shalt  }
0x7e: {  	_ =	shalt  }
0x7f: {  	_ =	shalt  }
0x80: {  	_ =	shalt  }
0x81: {  	_ =	shalt  }
0x82: {  	_ =	shalt  }
0x83: {  	_ =	shalt  }
0x84: {  	_ =	shalt  }
0x85: {  	_ =	shalt  }
0x86: {  	_ =	shalt  }
0x87: {  	_ =	shalt  }
.Lfunc_end0:
.L_simem_size_0:
called_computation_lowered:
.L_overlay_start_0:
0x88: {  	s2 =	sld [smem:$0x3FD9]  }
0x89: {  	s3 =	sld [smem:$0x3FFE];
	_ =	sdelay $0x1  }
0x8a: {  	s1 =	srdreg.scid  }
0x8b: {  	s0 =	sand.u32 $0x1, s1  }
0x8c: {  	s17 =	sshll.u32 s0, $0xA;
	s2 =	sadd.s32 s3, s2  }
0x8d: {  	s2 =	sadd.s32 s2, s17  }
0x8e: {  	[smem:$0x3FC5] =	sst s2  }
0x8f: {  	_ = 	snop  }
0x90: {  	s2 =	sld [smem:$0x3FD0];
	(tm) =	ssettm $0x1  }
0x91: {  	s18 =	sld [smem:$0x3FFB];
	_ =	sdelay $0x3  }
0x92: {  	_ =	strace s18  }
0x93: {  	s3 =	sld [smem:$0x3FFC];
	_ =	sdelay $0x3  }
0x94: {  	_ =	strace s3  }
0x95: {  	s3 =	sld [smem:$0x3FFD];
	_ =	sdelay $0x3  }
0x96: {  	_ =	strace s3  }
0x97: {  	_ =	strace $0x8FFFFFFF  }
0x98: {  	s19 =	sld [smem:$0x3FDB];
	_ =	sdelay $0x1  }
0x99: {  	s4 =	simm.s32 $_scs_section_size  }
0x9a: {  	s5 =	simm.s32 $_size__tile_overlayer_lowered;
	s6 =	simm.s32 $_tile_overlayer_lowered  }
0x9b: {  	s22 =	simm.s32 $0x1BFF;
	s21 =	sshll.u32 s6, $0x1;
	s3 =	sadd.s32 s4, s19  }
0x9c: {  	s7 =	simm.s32 $0x0;
	s20 =	sshll.u32 s5, $0x1;
	s5 =	sadd.s32 s21, s3  }
0x9d: {  	[timem:s7], [sflag:s22] =	dma.local [hbm:s5], s20  }
0x9e: {  	_ =	swait.ge [sflag:s22], s20  }
0x9f: {  	s4 =	ssub.s32 $0x0, s20;
	[sflag:s22] =	ssyncset.done $0x0  }
0xa0: {  	[sflag:s22] =	ssyncadd.s32 s4;
	_ =	sdelay $0x1  }
0xa1: {  	s23 =	simm.s32 $0x1B8B  }
0xa2: {  	_ =	swait.ge [sflag:s23], $0x1  }
0xa3: {  	[sflag:s23] =	ssyncset.done $0x0  }
0xa4: {  	s25 =	simm.s32 $0x1B8E;
	s24 =	sld [smem:$0x3FFE];
	[sflag:s23] =	ssyncadd.s32 $0xFFFFFFFF  }
0xa5: {  	s26 =	simm.s32 $execute0_lowered;
	[smem:$0x3FD2] =	sst s25  }
0xa6: {  	s5 =	sshll.u32 s26, $0x1;
	_ =	strace $0x80000046;
	[dreg:$0x1] =	wrdreg $0xFFFFFFFF  }
0xa7: {  	s28 =	simm.s32 $_size_execute0_lowered;
	s3 =	sadd.s32 s3, s5;
	[dreg:$0x0] =	wrdreg $0x0  }
0xa8: {  	s5 =	sshll.u32 s28, $0x1;
	[dreg:$0x2] =	wrdreg s3  }
0xa9: {  	[dreg:$0x3] =	wrdreg s5  }
0xaa: {  	[dreg:$0x4] =	wrdreg $0xC0  }
0xab: {  	_ =	task [dreg:s7], $0x5FFFF  }
0xac: {  	[dreg:$0x1] =	wrdreg $0xFFFFFFFF  }
0xad: {  	[dreg:$0x0] =	wrdreg $0x60  }
0xae: {  	[dreg:$0x2] =	wrdreg s24  }
0xaf: {  	[dreg:$0x3] =	wrdreg s2  }
0xb0: {  	[dreg:$0x4] =	wrdreg $0x9  }
0xb1: {  	_ =	task.clear_ibuf [dreg:s7], $0x5FFFF;
	_ =	strace $0x90000046  }
0xb2: {  	s29 =	simm.s32 $0x9;
	_ =	strace $0x80000048  }
0xb3: {  	_ =	swait.ge [sflag:s29], $0x1  }
0xb4: {  	[sflag:s29] =	ssyncadd.s32 $0xFFFFFFFF  }
0xb5: {  	_ =	strace $0x90000048  }
0xb6: {  	_ =	sfence  }
0xb7: {  	s30 =	sld [smem:$0x0];
	_ =	sdelay $0x2  }
0xb8: {  	s31 =	sshll.u32 s1, $0xD;
	s1 =	sshrl.u32 s1, $0x2  }
0xb9: {  	s3 =	sand.u32 $0x4000, s31;
	s1 =	sadd.s32 s1, s30  }
0xba: {  	s0 =	sor.u32 s3, s0;
	s1 =	sshll.u32 s1, $0x11  }
0xbb: {  	s0 =	sor.u32 s1, s0  }
0xbc: {  	s0 =	sadd.s32 $0x8F2B, s0  }
0xbd: {  	[sflag:s0] =	ssyncadd.remote.s32 $0x1  }
0xbe: {  	_ =	sfence.sel $0xFFFF  }
0xbf: {  	[dreg:$0x0] =	wrdreg $0xFFFFFFFF;
	(pc) =	sbr.abs _section_cstart, $3  }
0xc0: {  	[dreg:$0x1] =	wrdreg $0xFFFFFFFF  }
0xc1: {  	_ =	task.clear_ibuf [dreg:s7], $0x2FFFF;
	_ =	strace $0x9FFFFFFF  }
0xc2: {  	(tm) =	ssettm $0x7FFFFFFF  }
0xc3: {  	_ =	shalt  }
tec
execute0_lowered:
.L_overlay_start_1:
0x0: {  	(tag) =	ssettag $0x1  }
0x1: {  	s1 =	rddreg [dreg:$0x0]  }
0x2: {  	s3 =	rddreg [dreg:$0x1]  }
0x3: {  	s0 =	rddreg [dreg:$0x2];
	s4 =	simm.s32 $0x0  }
0x4: {  	s5 =	srdreg.scid;
	s2 =	stileid.u32;
	s10 =	simm.s32 $0x3  }
0x5: {  	s11 =	simm.s32 $0x4E80;
	s12 =	simm.s32 $0x9D00;
	s13 =	simm.s32 $0x9F00  }
0x6: {  	s14 =	simm.s32 $0x13E00;
	s15 =	simm.s32 $0xA100;
	s16 =	simm.s32 $0x1  }
0x7: {  	s17 =	simm.s32 $0x2;
	s18 =	simm.s32 $0x0;
	[smem:$0x7FF] =	sst s4  }
.Ltmp0:
0x8: {  	s5 =	sand.u32 $0x1, s5;
	s6 =	sshll.u32 s2, $0x1;
	(pc) =	sbr.rel .LBB2_1-.Ltmp0, $4  }
0x9: {  	_ =	strace $0x80000047;
	s6 =	sor.u32 s5, s6;
	s7 =	ssub.s32 $0x2, s5  }
0xa: {  	s5 =	sadd.s32 $0xA00, s1;
	s8 =	sshll.u32 s6, $0x6;
	s9 =	sshrl.u32 s7, $0x1  }
0xb: {  	s6 =	sshll.u32 s6, $0x5;
	s8 =	sadd.s32 s8, s1;
	s9 =	ssub.s32 s7, s9  }
0xc: {  	s7 =	sadd.s32 $0x1400, s8;
	s8 =	sadd.s32 $0x1C00, s8;
	s9 =	smax.u32 s9, $0x1  }
.LBB2_23:
0xd: {  	s18 =	sadd.s32 $0x1, s18  }
0xe: {  	_ =	swait.ge [sflag:s16], $0x9D00;
	p0 =	sne.s32 s18, s9  }
.Ltmp1:
0xf: {  	[sflag:s16] =	ssyncset.done $0x0;
	(pc) =	sbr.rel @!p0 .LBB2_24-.Ltmp1, $4  }
0x10: {  	[sflag:s16] =	ssyncadd.s32 $0xFFFF6300  }
0x11: {  	_ =	swait.ge [sflag:s17], $0x9D00  }
0x12: {  	[sflag:s17] =	ssyncset.done $0x0  }
0x13: {  	[sflag:s17] =	ssyncadd.s32 $0xFFFF6300  }
.LBB2_1:
0x14: {  	[tilespmem:s4], [sflag:$0x3] =	stream.linear.gather [hbm4b:s5+s4], $0x4E80, $0x38;
	[tilespmem:$0x1DB00] =	vst v63  }
0x15: {  	_ =	swait.ge [sflag:s10], $0x4E80  }
0x16: {  	[sflag:s10] =	ssyncset.done $0x0  }
0x17: {  	[sflag:s10] =	ssyncadd.s32 $0xFFFFB180  }
0x18: {  	[tilespmem:s11], [sflag:$0x3] =	stream.linear.gather [hbm4b:s1+s4], $0x4E80, $0x38;
	[tilespmem:$0x1DB00] =	vst v63  }
0x19: {  	_ =	swait.ge [sflag:s10], $0x4E80  }
0x1a: {  	[sflag:s10] =	ssyncset.done $0x0  }
0x1b: {  	[sflag:s10] =	ssyncadd.s32 $0xFFFFB180  }
0x1c: {  	[tilespmem:s12], [sflag:$0x3] =	stream.linear.gather [hbm4b:s7+s4], $0x200, $0x38;
	[tilespmem:$0x1DB00] =	vst v63  }
0x1d: {  	_ =	swait.ge [sflag:s10], $0x200  }
0x1e: {  	[sflag:s10] =	ssyncset.done $0x0  }
.Ltmp2:
0x1f: {  	[sflag:s10] =	ssyncadd.s32 $0xFFFFFE00;
	(pc) =	sbr.rel .LBB2_2-.Ltmp2, $4  }
0x20: {  	[tilespmem:s13], [sflag:$0x3] =	stream.linear.gather [hbm4b:s8+s4], $0x200, $0x38;
	[tilespmem:$0x1DB00] =	vst v63  }
0x21: {  	_ =	swait.ge [sflag:s10], $0x200  }
0x22: {  	[sflag:s10] =	ssyncset.done $0x0  }
0x23: {  	s19 =	simm.s32 $0x0;
	[sflag:s10] =	ssyncadd.s32 $0xFFFFFE00  }
.LBB2_22:
0x24: {  	s19 =	sadd.s32 $0x1, s19  }
0x25: {  	p0 =	sne.s32 s19, $0x20  }
.Ltmp3:
0x26: {  	_ = 	snop;
	(pc) =	sbr.rel @!p0 .LBB2_23-.Ltmp3, $1  }
0x27: {  	_ =	sdelay $0x3  }
.LBB2_2:
0x28: {  	s20 =	sadd.s32 s6, s19  }
0x29: {  	p0 =	sgt.u32 s20, $0x3E7  }
.Ltmp4:
0x2a: {  	_ = 	snop;
	(pc) =	sbr.rel @p0 .LBB2_22-.Ltmp4, $1  }
0x2b: {  	_ =	sdelay $0x3  }
0x2c: {  	s21 =	sand.u32 $0x1, s19  }
0x2d: {  	p0 =	seq.s32 s21, $0x1  }
.Ltmp5:
0x2e: {  	s22 =	sshll.u32 s19, $0x4;
	(pc) =	sbr.rel @p0 .LBB2_13-.Ltmp5, $2  }
0x2f: {  	v0 =	vld [tilespmem:s22+$0x9D00];
	_ =	sdelay $0x2  }
0x30: {  	v1 =	vld [tilespmem:s22+$0x9F00]  }
0x31: {  	p0 =	slt.u32 s19, $0x2  }
0x32: {  	s22 =	simm.s32 @!p0 $0x1  }
0x33: {  	_ =	swait.ge @!p0 [sflag:s22], $0x9D00  }
0x34: {  	[sflag:s22] =	ssyncset.done @!p0 $0x0  }
0x35: {  	s31 =	simm.s32 $0x80;
	[sflag:s22] =	ssyncadd.s32 @!p0 $0xFFFF6300  }
0x36: {  	v2 =	vld [tilespmem:s31+$0x20]  }
0x37: {  	v3 =	vld [tilespmem:s31+$0x0]  }
0x38: {  	v4 =	vld [tilespmem:s31+$0xFFFFFFE0]  }
0x39: {  	v5 =	vld [tilespmem:s31+$0x50]  }
0x3a: {  	v6 =	vld [tilespmem:s31+$0xFFFFFFD0]  }
0x3b: {  	v7 =	vld [tilespmem:s31+$0xFFFFFFF0]  }
0x3c: {  	v8 =	vld [tilespmem:s31+$0xFFFFFF90]  }
0x3d: {  	v9 =	vld [tilespmem:s31+$0x10]  }
0x3e: {  	v10 =	vld [tilespmem:s31+$0xFFFFFF80]  }
0x3f: {  	v11 =	vld [tilespmem:s31+$0x70]  }
0x40: {  	v12 =	vld [tilespmem:s31+$0x60]  }
0x41: {  	v13 =	vld [tilespmem:s31+$0xFFFFFFA0];
	v2 =	vmul.f32 v2, v1  }
0x42: {  	v14 =	vld [tilespmem:s31+$0xFFFFFFB0];
	v3 =	vmul.f32 v3, v1;
	v4 =	vmul.f32 v4, v1  }
0x43: {  	v15 =	vld [tilespmem:s31+$0x30];
	v6 =	vmul.f32 v6, v1;
	v7 =	vmul.f32 v7, v1  }
0x44: {  	s23 =	simm.s32 $0x180;
	v16 =	vld [tilespmem:s31+$0x40];
	v5 =	vmul.f32 v5, v1;
	v8 =	vmul.f32 v8, v1  }
0x45: {  	v19 =	vld [tilespmem:s23+$0xFFFFFFA0];
	v10 =	vmul.f32 v10, v1;
	v9 =	vmul.f32 v9, v1  }
0x46: {  	v12 =	vmul.f32 v12, v1;
	v11 =	vmul.f32 v11, v1  }
0x47: {  	v13 =	vmul.f32 v13, v1;
	v14 =	vmul.f32 v14, v1  }
0x48: {  	v15 =	vmul.f32 v15, v1;
	v2 =	vadd.f32 v2, v0;
	v3 =	vadd.f32 v3, v0  }
0x49: {  	v16 =	vmul.f32 v16, v1;
	v4 =	vadd.f32 v4, v0;
	v8 =	vadd.f32 v8, v0  }
0x4a: {  	v62 =	vmul.f32 v19, v1;
	v7 =	vadd.f32 v7, v0;
	v12 =	vadd.f32 v12, v0  }
0x4b: {  	v13 =	vadd.f32 v13, v0;
	v2 =	vmul.f32 $1.442695020e+00, v2;
	v3 =	vmul.f32 $1.442695020e+00, v3  }
0x4c: {  	v9 =	vadd.f32 v9, v0;
	v4 =	vmul.f32 $1.442695020e+00, v4;
	v8 =	vmul.f32 $1.442695020e+00, v8  }
0x4d: {  	v6 =	vadd.f32 v6, v0;
	v7 =	vmul.f32 $1.442695020e+00, v7;
	v12 =	vmul.f32 $1.442695020e+00, v12  }
0x4e: {  	v14 =	vadd.f32 v14, v0;
	v13 =	vmul.f32 $1.442695020e+00, v13;
	v9 =	vmul.f32 $1.442695020e+00, v9  }
0x4f: {  	v6 =	vmul.f32 $1.442695020e+00, v6;
	(erf) = vpow2.f32 v2;
	v2 =	vadd.f32 v5, v0  }
0x50: {  	v5 =	vmul.f32 $1.442695020e+00, v14;
	v14 =	vld [tilespmem:s31+$0xFFFFFFC0];
	(erf) = vpow2.f32 v7;
	v7 =	vadd.f32 v10, v0  }
0x51: {  	v10 =	vld [tilespmem:s23+$0x20];
	(erf) = vpow2.f32 v3;
	v2 =	vmul.f32 $1.442695020e+00, v2;
	v3 =	vadd.f32 v11, v0  }
0x52: {  	v11 =	vadd.f32 v16, v0;
	(erf) = vpow2.f32 v4;
	v7 =	vmul.f32 $1.442695020e+00, v7  }
0x53: {  	v4 =	vld [tilespmem:s23+$0x0];
	(erf) = vpow2.f32 v8;
	v3 =	vmul.f32 $1.442695020e+00, v3  }
0x54: {  	v8 =	vld [tilespmem:s23+$0xFFFFFFE0];
	v11 =	vmul.f32 $1.442695020e+00, v11;
	(erf) = vpow2.f32 v12  }
0x55: {  	v14 =	vmul.f32 v14, v1;
	v12 =	vadd.f32 v15, v0;
	v15 =	vld [tilespmem:s23+$0xFFFFFFD0];
	(erf) = vpow2.f32 v7  }
0x56: {  	v18 =	vld [tilespmem:s23+$0x70];
	v10 =	vmul.f32 v10, v1;
	(erf) = vpow2.f32 v3  }
0x57: {  	v7 =	vld [tilespmem:s23+$0xFFFFFFF0];
	v17 =	vmul.f32 $1.442695020e+00, v12;
	(erf) = vpow2.f32 v6  }
0x58: {  	v16 =	vld [tilespmem:s23+$0x50];
	v6 =	vadd.f32 v14, v0;
	v4 =	vmul.f32 v4, v1;
	(erf) = vpow2.f32 v5  }
0x59: {  	v12 =	vld [tilespmem:s23+$0x10];
	v10 =	vadd.f32 v10, v0;
	v8 =	vmul.f32 v8, v1;
	(erf) = vpow2.f32 v11  }
0x5a: {  	s22 =	simm.s32 $0xA200;
	v14 =	vld [tilespmem:s23+$0xFFFFFF80];
	v5 =	vpop (erf);
	v15 =	vmul.f32 v15, v1;
	v6 =	vmul.f32 $1.442695020e+00, v6  }
0x5b: {  	v3 =	vld [tilespmem:s23+$0xFFFFFF90];
	[tilespmem:s22+$0x20] =	vst v5;
	v5 =	vpop (erf);
	v4 =	vadd.f32 v4, v0;
	v10 =	vmul.f32 $1.442695020e+00, v10;
	(erf) = vpow2.f32 v2  }
0x5c: {  	v11 =	vld [tilespmem:s23+$0xFFFFFFB0];
	v7 =	vmul.f32 v7, v1;
	[tilespmem:s22+$0xFFFFFF70] =	vst v5;
	v2 =	vpop (erf);
	(erf) = vpow2.f32 v9  }
0x5d: {  	v5 =	vadd.f32 v8, v0;
	[tilespmem:s22+$0x0] =	vst v2;
	v4 =	vmul.f32 $1.442695020e+00, v4;
	v2 =	vmul.f32 v16, v1;
	v9 =	vld [tilespmem:s23+$0x60];
	v8 =	vpop (erf)  }
0x5e: {  	v12 =	vmul.f32 v12, v1;
	(erf) = vpow2.f32 v6;
	[tilespmem:s22+$0xFFFFFF60] =	vst v8;
	v8 =	vpop (erf)  }
0x5f: {  	v20 =	vld [tilespmem:s23+$0x30];
	v5 =	vmul.f32 $1.442695020e+00, v5;
	v14 =	vmul.f32 v14, v1;
	[tilespmem:s22+$0xFFFFFF10] =	vst v8;
	v6 =	vpop (erf)  }
0x60: {  	v16 =	vld [tilespmem:s23+$0x40];
	(erf) = vpow2.f32 v13;
	v8 =	vmul.f32 v3, v1;
	v3 =	vadd.f32 v15, v0;
	[tilespmem:s22+$0x60] =	vst v6;
	v15 =	vpop (erf)  }
0x61: {  	v7 =	vadd.f32 v7, v0;
	v11 =	vmul.f32 v11, v1;
	v6 =	vmul.f32 v18, v1;
	[tilespmem:s22+$0xFFFFFF00] =	vst v15;
	v15 =	vpop (erf)  }
0x62: {  	v18 =	vadd.f32 v62, v0;
	v8 =	vadd.f32 v8, v0;
	[tilespmem:s22+$0x70] =	vst v15;
	v13 =	vpop (erf);
	v15 =	vmul.f32 v9, v1  }
0x63: {  	v21 =	vmul.f32 $1.442695020e+00, v7;
	v63 =	vadd.f32 v11, v0;
	v11 =	vadd.f32 v14, v0;
	[tilespmem:s22+$0xFFFFFF50] =	vst v13;
	v13 =	vpop (erf)  }
0x64: {  	v14 =	vmul.f32 v20, v1;
	v9 =	vmul.f32 $1.442695020e+00, v8;
	v8 =	vadd.f32 v12, v0;
	[tilespmem:s22+$0xFFFFFF30] =	vst v13;
	v12 =	vpop (erf)  }
0x65: {  	v16 =	vmul.f32 v16, v1;
	v7 =	vadd.f32 v15, v0;
	(erf) = vpow2.f32 v17;
	[tilespmem:s22+$0x40] =	vst v12;
	v12 =	vpop (erf)  }
0x66: {  	v13 =	vadd.f32 v2, v0;
	v2 =	vmul.f32 $1.442695020e+00, v18;
	(erf) = vpow2.f32 v10;
	[tilespmem:s22+$0x50] =	vst v12;
	v15 =	vpop (erf)  }
0x67: {  	s24 =	simm.s32 $0x10;
	v10 =	vmul.f32 $1.442695020e+00, v63;
	v12 =	vmul.f32 $1.442695020e+00, v7;
	[tilespmem:s22+$0x10] =	vst v15;
	v17 =	vpop (erf)  }
0x68: {  	s25 =	simm.s32 $0xA400;
	s26 =	simm.s32 $0x280;
	v7 =	vadd.f32 v14, v0;
	v14 =	vadd.f32 v16, v0;
	(erf) = vpow2.f32 v21;
	v15 =	vld [tilespmem:s23+$0xFFFFFFC0];
	s23 =	simm.s32 $0xA400;
	[tilespmem:s22+$0xFFFFFF40] =	vst v17  }
.LBB2_5:
0x69: {  	v16 =	vld [tilespmem:s26+$0x20];
	s24 =	sadd.s32 $0x10, s24;
	v8 =	vmul.f32 $1.442695020e+00, v8;
	s25 =	sadd.s32 $0x200, s25;
	(erf) = vpow2.f32 v4  }
0x6a: {  	v13 =	vmul.f32 $1.442695020e+00, v13;
	v6 =	vadd.f32 v6, v0;
	v4 =	vld [tilespmem:s26+$0x0];
	p0 =	slt.u32 s24, $0x4D0;
	(erf) = vpow2.f32 v5;
	v5 =	vpop (erf)  }
0x6b: {  	v3 =	vmul.f32 $1.442695020e+00, v3;
	v17 =	vld [tilespmem:s26+$0xFFFFFFE0];
	(erf) = vpow2.f32 v9;
	[tilespmem:s22+$0xFFFFFF20] =	vst v5  }
0x6c: {  	v5 =	vmul.f32 $1.442695020e+00, v11;
	v19 =	vmul.f32 $1.442695020e+00, v6;
	v18 =	vld [tilespmem:s26+$0x40]  }
0x6d: {  	v9 =	vld [tilespmem:s26+$0x50];
	v11 =	vmul.f32 v15, v1;
	(erf) = vpow2.f32 v12  }
0x6e: {  	v12 =	vld [tilespmem:s26+$0xFFFFFFD0];
	v15 =	vmul.f32 v16, v1;
	(erf) = vpow2.f32 v5  }
0x6f: {  	v14 =	vmul.f32 $1.442695020e+00, v14;
	v5 =	vld [tilespmem:s26+$0xFFFFFFF0];
	v11 =	vadd.f32 v11, v0;
	(erf) = vpow2.f32 v19;
	v6 =	vpop (erf)  }
0x70: {  	v7 =	vmul.f32 $1.442695020e+00, v7;
	v16 =	vld [tilespmem:s26+$0xFFFFFF90];
	(erf) = vpow2.f32 v3;
	v3 =	vpop (erf);
	[tilespmem:s22+$0x30] =	vst v6;
	s22 =	smov.u32 s23;
	s23 =	smov.u32 s25  }
0x71: {  	v6 =	vmul.f32 v17, v1;
	v17 =	vld [tilespmem:s26+$0x10];
	[tilespmem:s22+$0x20] =	vst v3;
	(erf) = vpow2.f32 v10;
	v3 =	vpop (erf)  }
0x72: {  	v4 =	vmul.f32 v4, v1;
	v10 =	vld [tilespmem:s26+$0xFFFFFF80];
	[tilespmem:s22+$0xFFFFFF70] =	vst v3;
	v3 =	vpop (erf);
	(erf) = vpow2.f32 v14  }
0x73: {  	v15 =	vadd.f32 v15, v0;
	v11 =	vmul.f32 $1.442695020e+00, v11;
	v14 =	vld [tilespmem:s26+$0xFFFFFFB0];
	v12 =	vmul.f32 v12, v1;
	[tilespmem:s22+$0x0] =	vst v3;
	v3 =	vpop (erf)  }
0x74: {  	v4 =	vadd.f32 v4, v0;
	v19 =	vmul.f32 v5, v1;
	v20 =	vld [tilespmem:s26+$0x70];
	[tilespmem:s22+$0xFFFFFF60] =	vst v3;
	v3 =	vpop (erf);
	(erf) = vpow2.f32 v13  }
0x75: {  	v15 =	vmul.f32 $1.442695020e+00, v15;
	v5 =	vadd.f32 v6, v0;
	v13 =	vld [tilespmem:s26+$0xFFFFFFA0];
	[tilespmem:s22+$0xFFFFFF10] =	vst v3;
	(erf) = vpow2.f32 v8  }
0x76: {  	v4 =	vmul.f32 $1.442695020e+00, v4;
	v3 =	vadd.f32 v12, v0;
	v12 =	vmul.f32 v9, v1;
	v8 =	vld [tilespmem:s26+$0x60];
	v6 =	vpop (erf)  }
0x77: {  	v5 =	vmul.f32 $1.442695020e+00, v5;
	[tilespmem:s22+$0x60] =	vst v6;
	v6 =	vpop (erf);
	(erf) = vpow2.f32 v11  }
0x78: {  	v9 =	vmul.f32 v16, v1;
	v10 =	vmul.f32 v10, v1;
	[tilespmem:s22+$0xFFFFFF00] =	vst v6;
	v11 =	vpop (erf)  }
0x79: {  	v16 =	vmul.f32 v17, v1;
	v17 =	vld [tilespmem:s26+$0x30];
	v6 =	vmul.f32 v20, v1;
	[tilespmem:s22+$0x70] =	vst v11;
	v11 =	vpop (erf)  }
0x7a: {  	v9 =	vadd.f32 v9, v0;
	v22 =	vmul.f32 v13, v1;
	[tilespmem:s22+$0xFFFFFF50] =	vst v11;
	(erf) = vpow2.f32 v2;
	v2 =	vpop (erf)  }
0x7b: {  	v11 =	vmul.f32 v14, v1;
	v14 =	vadd.f32 v19, v0;
	v19 =	vmul.f32 v8, v1;
	[tilespmem:s22+$0xFFFFFF30] =	vst v2;
	v2 =	vpop (erf)  }
0x7c: {  	v9 =	vmul.f32 $1.442695020e+00, v9;
	v8 =	vadd.f32 v16, v0;
	v20 =	vadd.f32 v22, v0;
	[tilespmem:s22+$0x40] =	vst v2  }
.Ltmp6:
0x7d: {  	v16 =	vadd.f32 v11, v0;
	v21 =	vmul.f32 $1.442695020e+00, v14;
	v2 =	vadd.f32 v19, v0;
	v13 =	vpop (erf);
	(pc) =	sbr.rel @p0 .LBB2_5-.Ltmp6, $4  }
0x7e: {  	v11 =	vadd.f32 v10, v0;
	v14 =	vmul.f32 v18, v1;
	v10 =	vmul.f32 v17, v1;
	[tilespmem:s22+$0x50] =	vst v13;
	v17 =	vpop (erf)  }
0x7f: {  	v13 =	vadd.f32 v12, v0;
	v12 =	vmul.f32 $1.442695020e+00, v2;
	[tilespmem:s22+$0x10] =	vst v17;
	(erf) = vpow2.f32 v7  }
0x80: {  	v2 =	vmul.f32 $1.442695020e+00, v20;
	v7 =	vadd.f32 v10, v0;
	(erf) = vpow2.f32 v15;
	v17 =	vpop (erf)  }
0x81: {  	v14 =	vadd.f32 v14, v0;
	v10 =	vmul.f32 $1.442695020e+00, v16;
	v15 =	vld [tilespmem:s26+$0xFFFFFFC0];
	s26 =	sadd.s32 $0x100, s26;
	(erf) = vpow2.f32 v21;
	[tilespmem:s22+$0xFFFFFF40] =	vst v17  }
0x82: {  	(erf) = vpow2.f32 v4  }
0x83: {  	v53 =	vadd.f32 v6, v0;
	v54 =	vmul.f32 $1.442695020e+00, v11;
	(erf) = vpow2.f32 v5  }
0x84: {  	v3 =	vmul.f32 $1.442695020e+00, v3;
	(erf) = vpow2.f32 v9  }
0x85: {  	v4 =	vmul.f32 $1.442695020e+00, v53;
	(erf) = vpow2.f32 v12  }
0x86: {  	v57 =	vmul.f32 $1.442695020e+00, v14;
	(erf) = vpow2.f32 v54  }
0x87: {  	v55 =	vpop (erf);
	v56 =	vmul.f32 v15, v1;
	(erf) = vpow2.f32 v4  }
0x88: {  	[tilespmem:s22+$0xFFFFFF20] =	vst v55;
	v58 =	vpop (erf);
	(erf) = vpow2.f32 v3;
	v3 =	vmul.f32 $1.442695020e+00, v13  }
0x89: {  	v6 =	vadd.f32 v56, v0;
	v59 =	vpop (erf);
	[tilespmem:s22+$0x30] =	vst v58;
	(erf) = vpow2.f32 v10  }
0x8a: {  	v60 =	vmul.f32 $1.442695020e+00, v8;
	[tilespmem:s23+$0x20] =	vst v59;
	v61 =	vpop (erf);
	(erf) = vpow2.f32 v57  }
0x8b: {  	v6 =	vmul.f32 $1.442695020e+00, v6;
	[tilespmem:s23+$0xFFFFFF70] =	vst v61;
	v62 =	vpop (erf);
	(erf) = vpow2.f32 v3  }
0x8c: {  	[tilespmem:s23+$0x0] =	vst v62;
	v3 =	vpop (erf);
	(erf) = vpow2.f32 v60  }
0x8d: {  	v63 =	vmul.f32 $1.442695020e+00, v7;
	[tilespmem:s23+$0xFFFFFF60] =	vst v3;
	v3 =	vpop (erf);
	(erf) = vpow2.f32 v6  }
0x8e: {  	[tilespmem:s23+$0xFFFFFF10] =	vst v3;
	v3 =	vpop (erf);
	(erf) = vpow2.f32 v2  }
0x8f: {  	[tilespmem:s23+$0x60] =	vst v3;
	v2 =	vpop (erf);
	(erf) = vpow2.f32 v63  }
0x90: {  	[tilespmem:s23+$0xFFFFFF00] =	vst v2;
	v2 =	vpop (erf)  }
0x91: {  	[tilespmem:s23+$0x70] =	vst v2;
	v2 =	vpop (erf)  }
0x92: {  	[tilespmem:s23+$0xFFFFFF50] =	vst v2;
	v2 =	vpop (erf)  }
0x93: {  	[tilespmem:s23+$0xFFFFFF30] =	vst v2;
	v2 =	vpop (erf)  }
0x94: {  	[tilespmem:s23+$0x40] =	vst v2;
	v2 =	vpop (erf)  }
0x95: {  	[tilespmem:s23+$0x50] =	vst v2;
	v2 =	vpop (erf)  }
0x96: {  	[tilespmem:s23+$0x10] =	vst v2;
	v2 =	vpop (erf)  }
0x97: {  	[tilespmem:s23+$0xFFFFFF40] =	vst v2;
	v2 =	vpop (erf)  }
0x98: {  	[tilespmem:s23+$0xFFFFFF20] =	vst v2;
	v2 =	vpop (erf)  }
0x99: {  	s22 =	simm.s32 $0x0;
	[tilespmem:s23+$0x30] =	vst v2  }
.LBB2_7:
0x9a: {  	s23 =	sshra.s32 s22, $0x2  }
0x9b: {  	v2 =	vld [tilespmem:s23+$0x4E00];
	_ =	sdelay $0x4  }
0x9c: {  	v2 =	vmul.f32 v2, v1;
	_ =	sdelay $0x1  }
0x9d: {  	v2 =	vadd.f32 v2, v0;
	_ =	sdelay $0x1  }
0x9e: {  	v2 =	vmul.f32 $1.442695020e+00, v2;
	_ =	sdelay $0x1  }
0x9f: {  	(erf) = vpow2.f32 v2;
	_ =	sdelay $0x4  }
0xa0: {  	p0 =	sne.s32 s22, $0x40  }
.Ltmp7:
0xa1: {  	_ = 	snop;
	(pc) =	sbr.rel @p0 .LBB2_7-.Ltmp7, $3  }
0xa2: {  	_ =	sdelay $0x1  }
0xa3: {  	v2 =	vpop (erf)  }
0xa4: {  	s22 =	sadd.s32 $0x40, s22;
	[tilespmem:s23+$0x13D00] =	vst v2  }
0xa5: {  	s22 =	simm.s32 $0x4F00  }
0xa6: {  	v2 =	vld [tilespmem:s22+$0x20]  }
0xa7: {  	v3 =	vld [tilespmem:s22+$0x0]  }
0xa8: {  	v4 =	vld [tilespmem:s22+$0xFFFFFFE0]  }
0xa9: {  	v5 =	vld [tilespmem:s22+$0x50]  }
0xaa: {  	v6 =	vld [tilespmem:s22+$0xFFFFFFD0]  }
0xab: {  	v7 =	vld [tilespmem:s22+$0xFFFFFFF0]  }
0xac: {  	v8 =	vld [tilespmem:s22+$0xFFFFFF90]  }
0xad: {  	v9 =	vld [tilespmem:s22+$0x10]  }
0xae: {  	v10 =	vld [tilespmem:s22+$0xFFFFFF80]  }
0xaf: {  	v11 =	vld [tilespmem:s22+$0x70]  }
0xb0: {  	v12 =	vld [tilespmem:s22+$0x60]  }
0xb1: {  	v13 =	vld [tilespmem:s22+$0xFFFFFFA0];
	v2 =	vmul.f32 v2, v1  }
0xb2: {  	v14 =	vld [tilespmem:s22+$0xFFFFFFB0];
	v3 =	vmul.f32 v3, v1;
	v4 =	vmul.f32 v4, v1  }
0xb3: {  	v15 =	vld [tilespmem:s22+$0x30];
	v6 =	vmul.f32 v6, v1;
	v7 =	vmul.f32 v7, v1  }
0xb4: {  	s23 =	simm.s32 $0x5000;
	v16 =	vld [tilespmem:s22+$0x40];
	v5 =	vmul.f32 v5, v1;
	v8 =	vmul.f32 v8, v1  }
0xb5: {  	v19 =	vld [tilespmem:s23+$0xFFFFFFA0];
	v10 =	vmul.f32 v10, v1;
	v9 =	vmul.f32 v9, v1  }
0xb6: {  	v12 =	vmul.f32 v12, v1;
	v11 =	vmul.f32 v11, v1  }
0xb7: {  	v13 =	vmul.f32 v13, v1;
	v14 =	vmul.f32 v14, v1  }
0xb8: {  	v15 =	vmul.f32 v15, v1;
	v2 =	vadd.f32 v2, v0;
	v3 =	vadd.f32 v3, v0  }
0xb9: {  	v16 =	vmul.f32 v16, v1;
	v4 =	vadd.f32 v4, v0;
	v8 =	vadd.f32 v8, v0  }
0xba: {  	v62 =	vmul.f32 v19, v1;
	v7 =	vadd.f32 v7, v0;
	v12 =	vadd.f32 v12, v0  }
0xbb: {  	v13 =	vadd.f32 v13, v0;
	v2 =	vmul.f32 $1.442695020e+00, v2;
	v3 =	vmul.f32 $1.442695020e+00, v3  }
0xbc: {  	v9 =	vadd.f32 v9, v0;
	v4 =	vmul.f32 $1.442695020e+00, v4;
	v8 =	vmul.f32 $1.442695020e+00, v8  }
0xbd: {  	v6 =	vadd.f32 v6, v0;
	v7 =	vmul.f32 $1.442695020e+00, v7;
	v12 =	vmul.f32 $1.442695020e+00, v12  }
0xbe: {  	v14 =	vadd.f32 v14, v0;
	v13 =	vmul.f32 $1.442695020e+00, v13;
	v9 =	vmul.f32 $1.442695020e+00, v9  }
0xbf: {  	v6 =	vmul.f32 $1.442695020e+00, v6;
	(erf) = vpow2.f32 v2;
	v2 =	vadd.f32 v5, v0  }
0xc0: {  	v5 =	vmul.f32 $1.442695020e+00, v14;
	v14 =	vld [tilespmem:s22+$0xFFFFFFC0];
	(erf) = vpow2.f32 v7;
	v7 =	vadd.f32 v10, v0  }
0xc1: {  	v10 =	vld [tilespmem:s23+$0x20];
	(erf) = vpow2.f32 v3;
	v2 =	vmul.f32 $1.442695020e+00, v2;
	v3 =	vadd.f32 v11, v0  }
0xc2: {  	v11 =	vadd.f32 v16, v0;
	(erf) = vpow2.f32 v4;
	v7 =	vmul.f32 $1.442695020e+00, v7  }
0xc3: {  	v4 =	vld [tilespmem:s23+$0x0];
	(erf) = vpow2.f32 v8;
	v3 =	vmul.f32 $1.442695020e+00, v3  }
0xc4: {  	v8 =	vld [tilespmem:s23+$0xFFFFFFE0];
	v11 =	vmul.f32 $1.442695020e+00, v11;
	(erf) = vpow2.f32 v12  }
0xc5: {  	v14 =	vmul.f32 v14, v1;
	v12 =	vadd.f32 v15, v0;
	v15 =	vld [tilespmem:s23+$0xFFFFFFD0];
	(erf) = vpow2.f32 v7  }
0xc6: {  	v18 =	vld [tilespmem:s23+$0x70];
	v10 =	vmul.f32 v10, v1;
	(erf) = vpow2.f32 v3  }
0xc7: {  	v7 =	vld [tilespmem:s23+$0xFFFFFFF0];
	v17 =	vmul.f32 $1.442695020e+00, v12;
	(erf) = vpow2.f32 v6  }
0xc8: {  	v16 =	vld [tilespmem:s23+$0x50];
	v6 =	vadd.f32 v14, v0;
	v4 =	vmul.f32 v4, v1;
	(erf) = vpow2.f32 v5  }
0xc9: {  	v12 =	vld [tilespmem:s23+$0x10];
	v10 =	vadd.f32 v10, v0;
	v8 =	vmul.f32 v8, v1;
	(erf) = vpow2.f32 v11  }
0xca: {  	s22 =	simm.s32 $0xA280;
	v14 =	vld [tilespmem:s23+$0xFFFFFF80];
	v5 =	vpop (erf);
	v15 =	vmul.f32 v15, v1;
	v6 =	vmul.f32 $1.442695020e+00, v6  }
0xcb: {  	v3 =	vld [tilespmem:s23+$0xFFFFFF90];
	[tilespmem:s22+$0x20] =	vst v5;
	v5 =	vpop (erf);
	v4 =	vadd.f32 v4, v0;
	v10 =	vmul.f32 $1.442695020e+00, v10;
	(erf) = vpow2.f32 v2  }
0xcc: {  	v11 =	vld [tilespmem:s23+$0xFFFFFFB0];
	v7 =	vmul.f32 v7, v1;
	[tilespmem:s22+$0xFFFFFF70] =	vst v5;
	v2 =	vpop (erf);
	(erf) = vpow2.f32 v9  }
0xcd: {  	v5 =	vadd.f32 v8, v0;
	[tilespmem:s22+$0x0] =	vst v2;
	v4 =	vmul.f32 $1.442695020e+00, v4;
	v2 =	vmul.f32 v16, v1;
	v9 =	vld [tilespmem:s23+$0x60];
	v8 =	vpop (erf)  }
0xce: {  	v12 =	vmul.f32 v12, v1;
	(erf) = vpow2.f32 v6;
	[tilespmem:s22+$0xFFFFFF60] =	vst v8;
	v8 =	vpop (erf)  }
0xcf: {  	v20 =	vld [tilespmem:s23+$0x30];
	v5 =	vmul.f32 $1.442695020e+00, v5;
	v14 =	vmul.f32 v14, v1;
	[tilespmem:s22+$0xFFFFFF10] =	vst v8;
	v6 =	vpop (erf)  }
0xd0: {  	v16 =	vld [tilespmem:s23+$0x40];
	(erf) = vpow2.f32 v13;
	v8 =	vmul.f32 v3, v1;
	v3 =	vadd.f32 v15, v0;
	[tilespmem:s22+$0x60] =	vst v6;
	v15 =	vpop (erf)  }
0xd1: {  	v7 =	vadd.f32 v7, v0;
	v11 =	vmul.f32 v11, v1;
	v6 =	vmul.f32 v18, v1;
	[tilespmem:s22+$0xFFFFFF00] =	vst v15;
	v15 =	vpop (erf)  }
0xd2: {  	v18 =	vadd.f32 v62, v0;
	v8 =	vadd.f32 v8, v0;
	[tilespmem:s22+$0x70] =	vst v15;
	v13 =	vpop (erf);
	v15 =	vmul.f32 v9, v1  }
0xd3: {  	v21 =	vmul.f32 $1.442695020e+00, v7;
	v63 =	vadd.f32 v11, v0;
	v11 =	vadd.f32 v14, v0;
	[tilespmem:s22+$0xFFFFFF50] =	vst v13;
	v13 =	vpop (erf)  }
0xd4: {  	v14 =	vmul.f32 v20, v1;
	v9 =	vmul.f32 $1.442695020e+00, v8;
	v8 =	vadd.f32 v12, v0;
	[tilespmem:s22+$0xFFFFFF30] =	vst v13;
	v12 =	vpop (erf)  }
0xd5: {  	v16 =	vmul.f32 v16, v1;
	v7 =	vadd.f32 v15, v0;
	(erf) = vpow2.f32 v17;
	[tilespmem:s22+$0x40] =	vst v12;
	v12 =	vpop (erf)  }
0xd6: {  	v13 =	vadd.f32 v2, v0;
	v2 =	vmul.f32 $1.442695020e+00, v18;
	(erf) = vpow2.f32 v10;
	[tilespmem:s22+$0x50] =	vst v12;
	v15 =	vpop (erf)  }
0xd7: {  	s24 =	simm.s32 $0x10;
	v10 =	vmul.f32 $1.442695020e+00, v63;
	v12 =	vmul.f32 $1.442695020e+00, v7;
	[tilespmem:s22+$0x10] =	vst v15;
	v17 =	vpop (erf)  }
0xd8: {  	s25 =	simm.s32 $0xA480;
	s26 =	simm.s32 $0x5100;
	v7 =	vadd.f32 v14, v0;
	v14 =	vadd.f32 v16, v0;
	(erf) = vpow2.f32 v21;
	v15 =	vld [tilespmem:s23+$0xFFFFFFC0];
	s23 =	simm.s32 $0xA480;
	[tilespmem:s22+$0xFFFFFF40] =	vst v17  }
.LBB2_9:
0xd9: {  	v16 =	vld [tilespmem:s26+$0x20];
	s24 =	sadd.s32 $0x10, s24;
	v8 =	vmul.f32 $1.442695020e+00, v8;
	s25 =	sadd.s32 $0x200, s25;
	(erf) = vpow2.f32 v4  }
0xda: {  	v13 =	vmul.f32 $1.442695020e+00, v13;
	v6 =	vadd.f32 v6, v0;
	v4 =	vld [tilespmem:s26+$0x0];
	p0 =	slt.u32 s24, $0x4D0;
	(erf) = vpow2.f32 v5;
	v5 =	vpop (erf)  }
0xdb: {  	v3 =	vmul.f32 $1.442695020e+00, v3;
	v17 =	vld [tilespmem:s26+$0xFFFFFFE0];
	(erf) = vpow2.f32 v9;
	[tilespmem:s22+$0xFFFFFF20] =	vst v5  }
0xdc: {  	v5 =	vmul.f32 $1.442695020e+00, v11;
	v19 =	vmul.f32 $1.442695020e+00, v6;
	v18 =	vld [tilespmem:s26+$0x40]  }
0xdd: {  	v9 =	vld [tilespmem:s26+$0x50];
	v11 =	vmul.f32 v15, v1;
	(erf) = vpow2.f32 v12  }
0xde: {  	v12 =	vld [tilespmem:s26+$0xFFFFFFD0];
	v15 =	vmul.f32 v16, v1;
	(erf) = vpow2.f32 v5  }
0xdf: {  	v14 =	vmul.f32 $1.442695020e+00, v14;
	v5 =	vld [tilespmem:s26+$0xFFFFFFF0];
	v11 =	vadd.f32 v11, v0;
	(erf) = vpow2.f32 v19;
	v6 =	vpop (erf)  }
0xe0: {  	v7 =	vmul.f32 $1.442695020e+00, v7;
	v16 =	vld [tilespmem:s26+$0xFFFFFF90];
	(erf) = vpow2.f32 v3;
	v3 =	vpop (erf);
	[tilespmem:s22+$0x30] =	vst v6;
	s22 =	smov.u32 s23;
	s23 =	smov.u32 s25  }
0xe1: {  	v6 =	vmul.f32 v17, v1;
	v17 =	vld [tilespmem:s26+$0x10];
	[tilespmem:s22+$0x20] =	vst v3;
	(erf) = vpow2.f32 v10;
	v3 =	vpop (erf)  }
0xe2: {  	v4 =	vmul.f32 v4, v1;
	v10 =	vld [tilespmem:s26+$0xFFFFFF80];
	[tilespmem:s22+$0xFFFFFF70] =	vst v3;
	v3 =	vpop (erf);
	(erf) = vpow2.f32 v14  }
0xe3: {  	v15 =	vadd.f32 v15, v0;
	v11 =	vmul.f32 $1.442695020e+00, v11;
	v14 =	vld [tilespmem:s26+$0xFFFFFFB0];
	v12 =	vmul.f32 v12, v1;
	[tilespmem:s22+$0x0] =	vst v3;
	v3 =	vpop (erf)  }
0xe4: {  	v4 =	vadd.f32 v4, v0;
	v19 =	vmul.f32 v5, v1;
	v20 =	vld [tilespmem:s26+$0x70];
	[tilespmem:s22+$0xFFFFFF60] =	vst v3;
	v3 =	vpop (erf);
	(erf) = vpow2.f32 v13  }
0xe5: {  	v15 =	vmul.f32 $1.442695020e+00, v15;
	v5 =	vadd.f32 v6, v0;
	v13 =	vld [tilespmem:s26+$0xFFFFFFA0];
	[tilespmem:s22+$0xFFFFFF10] =	vst v3;
	(erf) = vpow2.f32 v8  }
0xe6: {  	v4 =	vmul.f32 $1.442695020e+00, v4;
	v3 =	vadd.f32 v12, v0;
	v12 =	vmul.f32 v9, v1;
	v8 =	vld [tilespmem:s26+$0x60];
	v6 =	vpop (erf)  }
0xe7: {  	v5 =	vmul.f32 $1.442695020e+00, v5;
	[tilespmem:s22+$0x60] =	vst v6;
	v6 =	vpop (erf);
	(erf) = vpow2.f32 v11  }
0xe8: {  	v9 =	vmul.f32 v16, v1;
	v10 =	vmul.f32 v10, v1;
	[tilespmem:s22+$0xFFFFFF00] =	vst v6;
	v11 =	vpop (erf)  }
0xe9: {  	v16 =	vmul.f32 v17, v1;
	v17 =	vld [tilespmem:s26+$0x30];
	v6 =	vmul.f32 v20, v1;
	[tilespmem:s22+$0x70] =	vst v11;
	v11 =	vpop (erf)  }
0xea: {  	v9 =	vadd.f32 v9, v0;
	v22 =	vmul.f32 v13, v1;
	[tilespmem:s22+$0xFFFFFF50] =	vst v11;
	(erf) = vpow2.f32 v2;
	v2 =	vpop (erf)  }
0xeb: {  	v11 =	vmul.f32 v14, v1;
	v14 =	vadd.f32 v19, v0;
	v19 =	vmul.f32 v8, v1;
	[tilespmem:s22+$0xFFFFFF30] =	vst v2;
	v2 =	vpop (erf)  }
0xec: {  	v9 =	vmul.f32 $1.442695020e+00, v9;
	v8 =	vadd.f32 v16, v0;
	v20 =	vadd.f32 v22, v0;
	[tilespmem:s22+$0x40] =	vst v2  }
.Ltmp8:
0xed: {  	v16 =	vadd.f32 v11, v0;
	v21 =	vmul.f32 $1.442695020e+00, v14;
	v2 =	vadd.f32 v19, v0;
	v13 =	vpop (erf);
	(pc) =	sbr.rel @p0 .LBB2_9-.Ltmp8, $4  }
0xee: {  	v11 =	vadd.f32 v10, v0;
	v14 =	vmul.f32 v18, v1;
	v10 =	vmul.f32 v17, v1;
	[tilespmem:s22+$0x50] =	vst v13;
	v17 =	vpop (erf)  }
0xef: {  	v13 =	vadd.f32 v12, v0;
	v12 =	vmul.f32 $1.442695020e+00, v2;
	[tilespmem:s22+$0x10] =	vst v17;
	(erf) = vpow2.f32 v7  }
0xf0: {  	v2 =	vmul.f32 $1.442695020e+00, v20;
	v7 =	vadd.f32 v10, v0;
	(erf) = vpow2.f32 v15;
	v17 =	vpop (erf)  }
0xf1: {  	v14 =	vadd.f32 v14, v0;
	v10 =	vmul.f32 $1.442695020e+00, v16;
	v15 =	vld [tilespmem:s26+$0xFFFFFFC0];
	s26 =	sadd.s32 $0x100, s26;
	(erf) = vpow2.f32 v21;
	[tilespmem:s22+$0xFFFFFF40] =	vst v17  }
0xf2: {  	(erf) = vpow2.f32 v4  }
0xf3: {  	v53 =	vadd.f32 v6, v0;
	v54 =	vmul.f32 $1.442695020e+00, v11;
	(erf) = vpow2.f32 v5  }
0xf4: {  	v3 =	vmul.f32 $1.442695020e+00, v3;
	(erf) = vpow2.f32 v9  }
0xf5: {  	v4 =	vmul.f32 $1.442695020e+00, v53;
	(erf) = vpow2.f32 v12  }
0xf6: {  	v57 =	vmul.f32 $1.442695020e+00, v14;
	(erf) = vpow2.f32 v54  }
0xf7: {  	v55 =	vpop (erf);
	v56 =	vmul.f32 v15, v1;
	(erf) = vpow2.f32 v4  }
0xf8: {  	[tilespmem:s22+$0xFFFFFF20] =	vst v55;
	v58 =	vpop (erf);
	(erf) = vpow2.f32 v3;
	v3 =	vmul.f32 $1.442695020e+00, v13  }
0xf9: {  	v6 =	vadd.f32 v56, v0;
	v59 =	vpop (erf);
	[tilespmem:s22+$0x30] =	vst v58;
	(erf) = vpow2.f32 v10  }
0xfa: {  	v60 =	vmul.f32 $1.442695020e+00, v8;
	[tilespmem:s23+$0x20] =	vst v59;
	v61 =	vpop (erf);
	(erf) = vpow2.f32 v57  }
0xfb: {  	v6 =	vmul.f32 $1.442695020e+00, v6;
	[tilespmem:s23+$0xFFFFFF70] =	vst v61;
	v62 =	vpop (erf);
	(erf) = vpow2.f32 v3  }
0xfc: {  	[tilespmem:s23+$0x0] =	vst v62;
	v3 =	vpop (erf);
	(erf) = vpow2.f32 v60  }
0xfd: {  	v63 =	vmul.f32 $1.442695020e+00, v7;
	[tilespmem:s23+$0xFFFFFF60] =	vst v3;
	v3 =	vpop (erf);
	(erf) = vpow2.f32 v6  }
0xfe: {  	[tilespmem:s23+$0xFFFFFF10] =	vst v3;
	v3 =	vpop (erf);
	(erf) = vpow2.f32 v2  }
0xff: {  	[tilespmem:s23+$0x60] =	vst v3;
	v2 =	vpop (erf);
	(erf) = vpow2.f32 v63  }
0x100: {  	[tilespmem:s23+$0xFFFFFF00] =	vst v2;
	v2 =	vpop (erf)  }
0x101: {  	[tilespmem:s23+$0x70] =	vst v2;
	v2 =	vpop (erf)  }
0x102: {  	[tilespmem:s23+$0xFFFFFF50] =	vst v2;
	v2 =	vpop (erf)  }
0x103: {  	[tilespmem:s23+$0xFFFFFF30] =	vst v2;
	v2 =	vpop (erf)  }
0x104: {  	[tilespmem:s23+$0x40] =	vst v2;
	v2 =	vpop (erf)  }
0x105: {  	[tilespmem:s23+$0x50] =	vst v2;
	v2 =	vpop (erf)  }
0x106: {  	[tilespmem:s23+$0x10] =	vst v2;
	v2 =	vpop (erf)  }
0x107: {  	[tilespmem:s23+$0xFFFFFF40] =	vst v2;
	v2 =	vpop (erf)  }
0x108: {  	[tilespmem:s23+$0xFFFFFF20] =	vst v2;
	v2 =	vpop (erf)  }
0x109: {  	s22 =	simm.s32 $0x0;
	[tilespmem:s23+$0x30] =	vst v2  }
.LBB2_11:
0x10a: {  	s23 =	sshra.s32 s22, $0x2  }
0x10b: {  	v2 =	vld [tilespmem:s23+$0x9C80];
	_ =	sdelay $0x4  }
0x10c: {  	v2 =	vmul.f32 v2, v1;
	_ =	sdelay $0x1  }
0x10d: {  	v2 =	vadd.f32 v2, v0;
	_ =	sdelay $0x1  }
0x10e: {  	v2 =	vmul.f32 $1.442695020e+00, v2;
	_ =	sdelay $0x1  }
0x10f: {  	(erf) = vpow2.f32 v2;
	_ =	sdelay $0x4  }
0x110: {  	p0 =	sne.s32 s22, $0x40  }
.Ltmp9:
0x111: {  	_ = 	snop;
	(pc) =	sbr.rel @p0 .LBB2_11-.Ltmp9, $3  }
0x112: {  	_ =	sdelay $0x1  }
0x113: {  	v2 =	vpop (erf)  }
0x114: {  	s22 =	sadd.s32 $0x40, s22;
	[tilespmem:s23+$0x13D80] =	vst v2  }
0x115: {  	p0 =	seq.s32 s21, $0x0  }
.Ltmp10:
0x116: {  	_ = 	snop;
	(pc) =	sbr.rel @p0 .LBB2_22-.Ltmp10, $3  }
0x117: {  	s22 =	smul.u32 $0x13A0, s20;
	_ =	sdelay $0x1  }
0x118: {  	s22 =	sadd.s32 s3, s22  }
0x119: {  	[hbm4b:s22+s4] =	stream.linear.scatter [tilespmem:s15], [sflag:$0x1], $0x9D00, $0x38;
	[tilespmem:$0x1DB00] =	vst v63  }
.LBB2_13:
0x11a: {  	p0 =	slt.u32 s19, $0x2  }
0x11b: {  	s21 =	simm.s32 @!p0 $0x2  }
0x11c: {  	_ =	swait.ge @!p0 [sflag:s21], $0x9D00  }
0x11d: {  	[sflag:s21] =	ssyncset.done @!p0 $0x0  }
0x11e: {  	s31 =	simm.s32 $0x80;
	[sflag:s21] =	ssyncadd.s32 @!p0 $0xFFFF6300  }
0x11f: {  	v2 =	vld [tilespmem:s31+$0x20]  }
0x120: {  	v3 =	vld [tilespmem:s31+$0x0]  }
0x121: {  	v4 =	vld [tilespmem:s31+$0xFFFFFFE0]  }
0x122: {  	v5 =	vld [tilespmem:s31+$0x50]  }
0x123: {  	v6 =	vld [tilespmem:s31+$0xFFFFFFD0]  }
0x124: {  	v7 =	vld [tilespmem:s31+$0xFFFFFFF0]  }
0x125: {  	v8 =	vld [tilespmem:s31+$0xFFFFFF90]  }
0x126: {  	v9 =	vld [tilespmem:s31+$0x10]  }
0x127: {  	v10 =	vld [tilespmem:s31+$0xFFFFFF80]  }
0x128: {  	v11 =	vld [tilespmem:s31+$0x70]  }
0x129: {  	v12 =	vld [tilespmem:s31+$0x60]  }
0x12a: {  	v13 =	vld [tilespmem:s31+$0xFFFFFFA0];
	v2 =	vmul.f32 v2, v1  }
0x12b: {  	v14 =	vld [tilespmem:s31+$0xFFFFFFB0];
	v3 =	vmul.f32 v3, v1;
	v4 =	vmul.f32 v4, v1  }
0x12c: {  	v15 =	vld [tilespmem:s31+$0x30];
	v6 =	vmul.f32 v6, v1;
	v7 =	vmul.f32 v7, v1  }
0x12d: {  	s22 =	simm.s32 $0x180;
	v16 =	vld [tilespmem:s31+$0x40];
	v5 =	vmul.f32 v5, v1;
	v8 =	vmul.f32 v8, v1  }
0x12e: {  	v19 =	vld [tilespmem:s22+$0xFFFFFFA0];
	v10 =	vmul.f32 v10, v1;
	v9 =	vmul.f32 v9, v1  }
0x12f: {  	v12 =	vmul.f32 v12, v1;
	v11 =	vmul.f32 v11, v1  }
0x130: {  	v13 =	vmul.f32 v13, v1;
	v14 =	vmul.f32 v14, v1  }
0x131: {  	v15 =	vmul.f32 v15, v1;
	v2 =	vadd.f32 v2, v0;
	v3 =	vadd.f32 v3, v0  }
0x132: {  	v16 =	vmul.f32 v16, v1;
	v4 =	vadd.f32 v4, v0;
	v8 =	vadd.f32 v8, v0  }
0x133: {  	v62 =	vmul.f32 v19, v1;
	v7 =	vadd.f32 v7, v0;
	v12 =	vadd.f32 v12, v0  }
0x134: {  	v13 =	vadd.f32 v13, v0;
	v2 =	vmul.f32 $1.442695020e+00, v2;
	v3 =	vmul.f32 $1.442695020e+00, v3  }
0x135: {  	v9 =	vadd.f32 v9, v0;
	v4 =	vmul.f32 $1.442695020e+00, v4;
	v8 =	vmul.f32 $1.442695020e+00, v8  }
0x136: {  	v6 =	vadd.f32 v6, v0;
	v7 =	vmul.f32 $1.442695020e+00, v7;
	v12 =	vmul.f32 $1.442695020e+00, v12  }
0x137: {  	v14 =	vadd.f32 v14, v0;
	v13 =	vmul.f32 $1.442695020e+00, v13;
	v9 =	vmul.f32 $1.442695020e+00, v9  }
0x138: {  	v6 =	vmul.f32 $1.442695020e+00, v6;
	(erf) = vpow2.f32 v2;
	v2 =	vadd.f32 v5, v0  }
0x139: {  	v5 =	vmul.f32 $1.442695020e+00, v14;
	v14 =	vld [tilespmem:s31+$0xFFFFFFC0];
	(erf) = vpow2.f32 v7;
	v7 =	vadd.f32 v10, v0  }
0x13a: {  	v10 =	vld [tilespmem:s22+$0x20];
	(erf) = vpow2.f32 v3;
	v2 =	vmul.f32 $1.442695020e+00, v2;
	v3 =	vadd.f32 v11, v0  }
0x13b: {  	v11 =	vadd.f32 v16, v0;
	(erf) = vpow2.f32 v4;
	v7 =	vmul.f32 $1.442695020e+00, v7  }
0x13c: {  	v4 =	vld [tilespmem:s22+$0x0];
	(erf) = vpow2.f32 v8;
	v3 =	vmul.f32 $1.442695020e+00, v3  }
0x13d: {  	v8 =	vld [tilespmem:s22+$0xFFFFFFE0];
	v11 =	vmul.f32 $1.442695020e+00, v11;
	(erf) = vpow2.f32 v12  }
0x13e: {  	v14 =	vmul.f32 v14, v1;
	v12 =	vadd.f32 v15, v0;
	v15 =	vld [tilespmem:s22+$0xFFFFFFD0];
	(erf) = vpow2.f32 v7  }
0x13f: {  	v18 =	vld [tilespmem:s22+$0x70];
	v10 =	vmul.f32 v10, v1;
	(erf) = vpow2.f32 v3  }
0x140: {  	v7 =	vld [tilespmem:s22+$0xFFFFFFF0];
	v17 =	vmul.f32 $1.442695020e+00, v12;
	(erf) = vpow2.f32 v6  }
0x141: {  	v16 =	vld [tilespmem:s22+$0x50];
	v6 =	vadd.f32 v14, v0;
	v4 =	vmul.f32 v4, v1;
	(erf) = vpow2.f32 v5  }
0x142: {  	v12 =	vld [tilespmem:s22+$0x10];
	v10 =	vadd.f32 v10, v0;
	v8 =	vmul.f32 v8, v1;
	(erf) = vpow2.f32 v11  }
0x143: {  	s21 =	simm.s32 $0x13F00;
	v14 =	vld [tilespmem:s22+$0xFFFFFF80];
	v5 =	vpop (erf);
	v15 =	vmul.f32 v15, v1;
	v6 =	vmul.f32 $1.442695020e+00, v6  }
0x144: {  	v3 =	vld [tilespmem:s22+$0xFFFFFF90];
	[tilespmem:s21+$0x20] =	vst v5;
	v5 =	vpop (erf);
	v4 =	vadd.f32 v4, v0;
	v10 =	vmul.f32 $1.442695020e+00, v10;
	(erf) = vpow2.f32 v2  }
0x145: {  	v11 =	vld [tilespmem:s22+$0xFFFFFFB0];
	v7 =	vmul.f32 v7, v1;
	[tilespmem:s21+$0xFFFFFF70] =	vst v5;
	v2 =	vpop (erf);
	(erf) = vpow2.f32 v9  }
0x146: {  	v5 =	vadd.f32 v8, v0;
	[tilespmem:s21+$0x0] =	vst v2;
	v4 =	vmul.f32 $1.442695020e+00, v4;
	v2 =	vmul.f32 v16, v1;
	v9 =	vld [tilespmem:s22+$0x60];
	v8 =	vpop (erf)  }
0x147: {  	v12 =	vmul.f32 v12, v1;
	(erf) = vpow2.f32 v6;
	[tilespmem:s21+$0xFFFFFF60] =	vst v8;
	v8 =	vpop (erf)  }
0x148: {  	v20 =	vld [tilespmem:s22+$0x30];
	v5 =	vmul.f32 $1.442695020e+00, v5;
	v14 =	vmul.f32 v14, v1;
	[tilespmem:s21+$0xFFFFFF10] =	vst v8;
	v6 =	vpop (erf)  }
0x149: {  	v16 =	vld [tilespmem:s22+$0x40];
	(erf) = vpow2.f32 v13;
	v8 =	vmul.f32 v3, v1;
	v3 =	vadd.f32 v15, v0;
	[tilespmem:s21+$0x60] =	vst v6;
	v15 =	vpop (erf)  }
0x14a: {  	v7 =	vadd.f32 v7, v0;
	v11 =	vmul.f32 v11, v1;
	v6 =	vmul.f32 v18, v1;
	[tilespmem:s21+$0xFFFFFF00] =	vst v15;
	v15 =	vpop (erf)  }
0x14b: {  	v18 =	vadd.f32 v62, v0;
	v8 =	vadd.f32 v8, v0;
	[tilespmem:s21+$0x70] =	vst v15;
	v13 =	vpop (erf);
	v15 =	vmul.f32 v9, v1  }
0x14c: {  	v21 =	vmul.f32 $1.442695020e+00, v7;
	v63 =	vadd.f32 v11, v0;
	v11 =	vadd.f32 v14, v0;
	[tilespmem:s21+$0xFFFFFF50] =	vst v13;
	v13 =	vpop (erf)  }
0x14d: {  	v14 =	vmul.f32 v20, v1;
	v9 =	vmul.f32 $1.442695020e+00, v8;
	v8 =	vadd.f32 v12, v0;
	[tilespmem:s21+$0xFFFFFF30] =	vst v13;
	v12 =	vpop (erf)  }
0x14e: {  	v16 =	vmul.f32 v16, v1;
	v7 =	vadd.f32 v15, v0;
	(erf) = vpow2.f32 v17;
	[tilespmem:s21+$0x40] =	vst v12;
	v12 =	vpop (erf)  }
0x14f: {  	v13 =	vadd.f32 v2, v0;
	v2 =	vmul.f32 $1.442695020e+00, v18;
	(erf) = vpow2.f32 v10;
	[tilespmem:s21+$0x50] =	vst v12;
	v15 =	vpop (erf)  }
0x150: {  	s23 =	simm.s32 $0x10;
	v10 =	vmul.f32 $1.442695020e+00, v63;
	v12 =	vmul.f32 $1.442695020e+00, v7;
	[tilespmem:s21+$0x10] =	vst v15;
	v17 =	vpop (erf)  }
0x151: {  	s24 =	simm.s32 $0x14100;
	s25 =	simm.s32 $0x280;
	v7 =	vadd.f32 v14, v0;
	v14 =	vadd.f32 v16, v0;
	(erf) = vpow2.f32 v21;
	v15 =	vld [tilespmem:s22+$0xFFFFFFC0];
	s22 =	simm.s32 $0x14100;
	[tilespmem:s21+$0xFFFFFF40] =	vst v17  }
.LBB2_14:
0x152: {  	v16 =	vld [tilespmem:s25+$0x20];
	s23 =	sadd.s32 $0x10, s23;
	v8 =	vmul.f32 $1.442695020e+00, v8;
	s24 =	sadd.s32 $0x200, s24;
	(erf) = vpow2.f32 v4  }
0x153: {  	v13 =	vmul.f32 $1.442695020e+00, v13;
	v6 =	vadd.f32 v6, v0;
	v4 =	vld [tilespmem:s25+$0x0];
	p0 =	slt.u32 s23, $0x4D0;
	(erf) = vpow2.f32 v5;
	v5 =	vpop (erf)  }
0x154: {  	v3 =	vmul.f32 $1.442695020e+00, v3;
	v17 =	vld [tilespmem:s25+$0xFFFFFFE0];
	(erf) = vpow2.f32 v9;
	[tilespmem:s21+$0xFFFFFF20] =	vst v5  }
0x155: {  	v5 =	vmul.f32 $1.442695020e+00, v11;
	v19 =	vmul.f32 $1.442695020e+00, v6;
	v18 =	vld [tilespmem:s25+$0x40]  }
0x156: {  	v9 =	vld [tilespmem:s25+$0x50];
	v11 =	vmul.f32 v15, v1;
	(erf) = vpow2.f32 v12  }
0x157: {  	v12 =	vld [tilespmem:s25+$0xFFFFFFD0];
	v15 =	vmul.f32 v16, v1;
	(erf) = vpow2.f32 v5  }
0x158: {  	v14 =	vmul.f32 $1.442695020e+00, v14;
	v5 =	vld [tilespmem:s25+$0xFFFFFFF0];
	v11 =	vadd.f32 v11, v0;
	(erf) = vpow2.f32 v19;
	v6 =	vpop (erf)  }
0x159: {  	v7 =	vmul.f32 $1.442695020e+00, v7;
	v16 =	vld [tilespmem:s25+$0xFFFFFF90];
	(erf) = vpow2.f32 v3;
	v3 =	vpop (erf);
	[tilespmem:s21+$0x30] =	vst v6;
	s21 =	smov.u32 s22;
	s22 =	smov.u32 s24  }
0x15a: {  	v6 =	vmul.f32 v17, v1;
	v17 =	vld [tilespmem:s25+$0x10];
	[tilespmem:s21+$0x20] =	vst v3;
	(erf) = vpow2.f32 v10;
	v3 =	vpop (erf)  }
0x15b: {  	v4 =	vmul.f32 v4, v1;
	v10 =	vld [tilespmem:s25+$0xFFFFFF80];
	[tilespmem:s21+$0xFFFFFF70] =	vst v3;
	v3 =	vpop (erf);
	(erf) = vpow2.f32 v14  }
0x15c: {  	v15 =	vadd.f32 v15, v0;
	v11 =	vmul.f32 $1.442695020e+00, v11;
	v14 =	vld [tilespmem:s25+$0xFFFFFFB0];
	v12 =	vmul.f32 v12, v1;
	[tilespmem:s21+$0x0] =	vst v3;
	v3 =	vpop (erf)  }
0x15d: {  	v4 =	vadd.f32 v4, v0;
	v19 =	vmul.f32 v5, v1;
	v20 =	vld [tilespmem:s25+$0x70];
	[tilespmem:s21+$0xFFFFFF60] =	vst v3;
	v3 =	vpop (erf);
	(erf) = vpow2.f32 v13  }
0x15e: {  	v15 =	vmul.f32 $1.442695020e+00, v15;
	v5 =	vadd.f32 v6, v0;
	v13 =	vld [tilespmem:s25+$0xFFFFFFA0];
	[tilespmem:s21+$0xFFFFFF10] =	vst v3;
	(erf) = vpow2.f32 v8  }
0x15f: {  	v4 =	vmul.f32 $1.442695020e+00, v4;
	v3 =	vadd.f32 v12, v0;
	v12 =	vmul.f32 v9, v1;
	v8 =	vld [tilespmem:s25+$0x60];
	v6 =	vpop (erf)  }
0x160: {  	v5 =	vmul.f32 $1.442695020e+00, v5;
	[tilespmem:s21+$0x60] =	vst v6;
	v6 =	vpop (erf);
	(erf) = vpow2.f32 v11  }
0x161: {  	v9 =	vmul.f32 v16, v1;
	v10 =	vmul.f32 v10, v1;
	[tilespmem:s21+$0xFFFFFF00] =	vst v6;
	v11 =	vpop (erf)  }
0x162: {  	v16 =	vmul.f32 v17, v1;
	v17 =	vld [tilespmem:s25+$0x30];
	v6 =	vmul.f32 v20, v1;
	[tilespmem:s21+$0x70] =	vst v11;
	v11 =	vpop (erf)  }
0x163: {  	v9 =	vadd.f32 v9, v0;
	v22 =	vmul.f32 v13, v1;
	[tilespmem:s21+$0xFFFFFF50] =	vst v11;
	(erf) = vpow2.f32 v2;
	v2 =	vpop (erf)  }
0x164: {  	v11 =	vmul.f32 v14, v1;
	v14 =	vadd.f32 v19, v0;
	v19 =	vmul.f32 v8, v1;
	[tilespmem:s21+$0xFFFFFF30] =	vst v2;
	v2 =	vpop (erf)  }
0x165: {  	v9 =	vmul.f32 $1.442695020e+00, v9;
	v8 =	vadd.f32 v16, v0;
	v20 =	vadd.f32 v22, v0;
	[tilespmem:s21+$0x40] =	vst v2  }
.Ltmp11:
0x166: {  	v16 =	vadd.f32 v11, v0;
	v21 =	vmul.f32 $1.442695020e+00, v14;
	v2 =	vadd.f32 v19, v0;
	v13 =	vpop (erf);
	(pc) =	sbr.rel @p0 .LBB2_14-.Ltmp11, $4  }
0x167: {  	v11 =	vadd.f32 v10, v0;
	v14 =	vmul.f32 v18, v1;
	v10 =	vmul.f32 v17, v1;
	[tilespmem:s21+$0x50] =	vst v13;
	v17 =	vpop (erf)  }
0x168: {  	v13 =	vadd.f32 v12, v0;
	v12 =	vmul.f32 $1.442695020e+00, v2;
	[tilespmem:s21+$0x10] =	vst v17;
	(erf) = vpow2.f32 v7  }
0x169: {  	v2 =	vmul.f32 $1.442695020e+00, v20;
	v7 =	vadd.f32 v10, v0;
	(erf) = vpow2.f32 v15;
	v17 =	vpop (erf)  }
0x16a: {  	v14 =	vadd.f32 v14, v0;
	v10 =	vmul.f32 $1.442695020e+00, v16;
	v15 =	vld [tilespmem:s25+$0xFFFFFFC0];
	s25 =	sadd.s32 $0x100, s25;
	(erf) = vpow2.f32 v21;
	[tilespmem:s21+$0xFFFFFF40] =	vst v17  }
0x16b: {  	(erf) = vpow2.f32 v4  }
0x16c: {  	v53 =	vadd.f32 v6, v0;
	v54 =	vmul.f32 $1.442695020e+00, v11;
	(erf) = vpow2.f32 v5  }
0x16d: {  	v3 =	vmul.f32 $1.442695020e+00, v3;
	(erf) = vpow2.f32 v9  }
0x16e: {  	v4 =	vmul.f32 $1.442695020e+00, v53;
	(erf) = vpow2.f32 v12  }
0x16f: {  	v57 =	vmul.f32 $1.442695020e+00, v14;
	(erf) = vpow2.f32 v54  }
0x170: {  	v55 =	vpop (erf);
	v56 =	vmul.f32 v15, v1;
	(erf) = vpow2.f32 v4  }
0x171: {  	[tilespmem:s21+$0xFFFFFF20] =	vst v55;
	v58 =	vpop (erf);
	(erf) = vpow2.f32 v3;
	v3 =	vmul.f32 $1.442695020e+00, v13  }
0x172: {  	v6 =	vadd.f32 v56, v0;
	v59 =	vpop (erf);
	[tilespmem:s21+$0x30] =	vst v58;
	(erf) = vpow2.f32 v10  }
0x173: {  	v60 =	vmul.f32 $1.442695020e+00, v8;
	[tilespmem:s22+$0x20] =	vst v59;
	v61 =	vpop (erf);
	(erf) = vpow2.f32 v57  }
0x174: {  	v6 =	vmul.f32 $1.442695020e+00, v6;
	[tilespmem:s22+$0xFFFFFF70] =	vst v61;
	v62 =	vpop (erf);
	(erf) = vpow2.f32 v3  }
0x175: {  	[tilespmem:s22+$0x0] =	vst v62;
	v3 =	vpop (erf);
	(erf) = vpow2.f32 v60  }
0x176: {  	v63 =	vmul.f32 $1.442695020e+00, v7;
	[tilespmem:s22+$0xFFFFFF60] =	vst v3;
	v3 =	vpop (erf);
	(erf) = vpow2.f32 v6  }
0x177: {  	[tilespmem:s22+$0xFFFFFF10] =	vst v3;
	v3 =	vpop (erf);
	(erf) = vpow2.f32 v2  }
0x178: {  	[tilespmem:s22+$0x60] =	vst v3;
	v2 =	vpop (erf);
	(erf) = vpow2.f32 v63  }
0x179: {  	[tilespmem:s22+$0xFFFFFF00] =	vst v2;
	v2 =	vpop (erf)  }
0x17a: {  	[tilespmem:s22+$0x70] =	vst v2;
	v2 =	vpop (erf)  }
0x17b: {  	[tilespmem:s22+$0xFFFFFF50] =	vst v2;
	v2 =	vpop (erf)  }
0x17c: {  	[tilespmem:s22+$0xFFFFFF30] =	vst v2;
	v2 =	vpop (erf)  }
0x17d: {  	[tilespmem:s22+$0x40] =	vst v2;
	v2 =	vpop (erf)  }
0x17e: {  	[tilespmem:s22+$0x50] =	vst v2;
	v2 =	vpop (erf)  }
0x17f: {  	[tilespmem:s22+$0x10] =	vst v2;
	v2 =	vpop (erf)  }
0x180: {  	[tilespmem:s22+$0xFFFFFF40] =	vst v2;
	v2 =	vpop (erf)  }
0x181: {  	[tilespmem:s22+$0xFFFFFF20] =	vst v2;
	v2 =	vpop (erf)  }
0x182: {  	s21 =	simm.s32 $0x0;
	[tilespmem:s22+$0x30] =	vst v2  }
.LBB2_16:
0x183: {  	s22 =	sshra.s32 s21, $0x2  }
0x184: {  	v2 =	vld [tilespmem:s22+$0x4E00];
	_ =	sdelay $0x4  }
0x185: {  	v2 =	vmul.f32 v2, v1;
	_ =	sdelay $0x1  }
0x186: {  	v2 =	vadd.f32 v2, v0;
	_ =	sdelay $0x1  }
0x187: {  	v2 =	vmul.f32 $1.442695020e+00, v2;
	_ =	sdelay $0x1  }
0x188: {  	(erf) = vpow2.f32 v2;
	_ =	sdelay $0x4  }
0x189: {  	p0 =	sne.s32 s21, $0x40  }
.Ltmp12:
0x18a: {  	_ = 	snop;
	(pc) =	sbr.rel @p0 .LBB2_16-.Ltmp12, $3  }
0x18b: {  	_ =	sdelay $0x1  }
0x18c: {  	v2 =	vpop (erf)  }
0x18d: {  	s21 =	sadd.s32 $0x40, s21;
	[tilespmem:s22+$0x1DA00] =	vst v2  }
0x18e: {  	s21 =	simm.s32 $0x4F00  }
0x18f: {  	v2 =	vld [tilespmem:s21+$0x20]  }
0x190: {  	v3 =	vld [tilespmem:s21+$0x0]  }
0x191: {  	v4 =	vld [tilespmem:s21+$0xFFFFFFE0]  }
0x192: {  	v5 =	vld [tilespmem:s21+$0x50]  }
0x193: {  	v6 =	vld [tilespmem:s21+$0xFFFFFFD0]  }
0x194: {  	v7 =	vld [tilespmem:s21+$0xFFFFFFF0]  }
0x195: {  	v8 =	vld [tilespmem:s21+$0xFFFFFF90]  }
0x196: {  	v9 =	vld [tilespmem:s21+$0x10]  }
0x197: {  	v10 =	vld [tilespmem:s21+$0xFFFFFF80]  }
0x198: {  	v11 =	vld [tilespmem:s21+$0x70]  }
0x199: {  	v12 =	vld [tilespmem:s21+$0x60]  }
0x19a: {  	v13 =	vld [tilespmem:s21+$0xFFFFFFA0];
	v2 =	vmul.f32 v2, v1  }
0x19b: {  	v14 =	vld [tilespmem:s21+$0xFFFFFFB0];
	v3 =	vmul.f32 v3, v1;
	v4 =	vmul.f32 v4, v1  }
0x19c: {  	v15 =	vld [tilespmem:s21+$0x30];
	v6 =	vmul.f32 v6, v1;
	v7 =	vmul.f32 v7, v1  }
0x19d: {  	s22 =	simm.s32 $0x5000;
	v16 =	vld [tilespmem:s21+$0x40];
	v5 =	vmul.f32 v5, v1;
	v8 =	vmul.f32 v8, v1  }
0x19e: {  	v19 =	vld [tilespmem:s22+$0xFFFFFFA0];
	v10 =	vmul.f32 v10, v1;
	v9 =	vmul.f32 v9, v1  }
0x19f: {  	v12 =	vmul.f32 v12, v1;
	v11 =	vmul.f32 v11, v1  }
0x1a0: {  	v13 =	vmul.f32 v13, v1;
	v14 =	vmul.f32 v14, v1  }
0x1a1: {  	v15 =	vmul.f32 v15, v1;
	v2 =	vadd.f32 v2, v0;
	v3 =	vadd.f32 v3, v0  }
0x1a2: {  	v16 =	vmul.f32 v16, v1;
	v4 =	vadd.f32 v4, v0;
	v8 =	vadd.f32 v8, v0  }
0x1a3: {  	v62 =	vmul.f32 v19, v1;
	v7 =	vadd.f32 v7, v0;
	v12 =	vadd.f32 v12, v0  }
0x1a4: {  	v13 =	vadd.f32 v13, v0;
	v2 =	vmul.f32 $1.442695020e+00, v2;
	v3 =	vmul.f32 $1.442695020e+00, v3  }
0x1a5: {  	v9 =	vadd.f32 v9, v0;
	v4 =	vmul.f32 $1.442695020e+00, v4;
	v8 =	vmul.f32 $1.442695020e+00, v8  }
0x1a6: {  	v6 =	vadd.f32 v6, v0;
	v7 =	vmul.f32 $1.442695020e+00, v7;
	v12 =	vmul.f32 $1.442695020e+00, v12  }
0x1a7: {  	v14 =	vadd.f32 v14, v0;
	v13 =	vmul.f32 $1.442695020e+00, v13;
	v9 =	vmul.f32 $1.442695020e+00, v9  }
0x1a8: {  	v6 =	vmul.f32 $1.442695020e+00, v6;
	(erf) = vpow2.f32 v2;
	v2 =	vadd.f32 v5, v0  }
0x1a9: {  	v5 =	vmul.f32 $1.442695020e+00, v14;
	v14 =	vld [tilespmem:s21+$0xFFFFFFC0];
	(erf) = vpow2.f32 v7;
	v7 =	vadd.f32 v10, v0  }
0x1aa: {  	v10 =	vld [tilespmem:s22+$0x20];
	(erf) = vpow2.f32 v3;
	v2 =	vmul.f32 $1.442695020e+00, v2;
	v3 =	vadd.f32 v11, v0  }
0x1ab: {  	v11 =	vadd.f32 v16, v0;
	(erf) = vpow2.f32 v4;
	v7 =	vmul.f32 $1.442695020e+00, v7  }
0x1ac: {  	v4 =	vld [tilespmem:s22+$0x0];
	(erf) = vpow2.f32 v8;
	v3 =	vmul.f32 $1.442695020e+00, v3  }
0x1ad: {  	v8 =	vld [tilespmem:s22+$0xFFFFFFE0];
	v11 =	vmul.f32 $1.442695020e+00, v11;
	(erf) = vpow2.f32 v12  }
0x1ae: {  	v14 =	vmul.f32 v14, v1;
	v12 =	vadd.f32 v15, v0;
	v15 =	vld [tilespmem:s22+$0xFFFFFFD0];
	(erf) = vpow2.f32 v7  }
0x1af: {  	v18 =	vld [tilespmem:s22+$0x70];
	v10 =	vmul.f32 v10, v1;
	(erf) = vpow2.f32 v3  }
0x1b0: {  	v7 =	vld [tilespmem:s22+$0xFFFFFFF0];
	v17 =	vmul.f32 $1.442695020e+00, v12;
	(erf) = vpow2.f32 v6  }
0x1b1: {  	v16 =	vld [tilespmem:s22+$0x50];
	v6 =	vadd.f32 v14, v0;
	v4 =	vmul.f32 v4, v1;
	(erf) = vpow2.f32 v5  }
0x1b2: {  	v12 =	vld [tilespmem:s22+$0x10];
	v10 =	vadd.f32 v10, v0;
	v8 =	vmul.f32 v8, v1;
	(erf) = vpow2.f32 v11  }
0x1b3: {  	s21 =	simm.s32 $0x13F80;
	v14 =	vld [tilespmem:s22+$0xFFFFFF80];
	v5 =	vpop (erf);
	v15 =	vmul.f32 v15, v1;
	v6 =	vmul.f32 $1.442695020e+00, v6  }
0x1b4: {  	v3 =	vld [tilespmem:s22+$0xFFFFFF90];
	[tilespmem:s21+$0x20] =	vst v5;
	v5 =	vpop (erf);
	v4 =	vadd.f32 v4, v0;
	v10 =	vmul.f32 $1.442695020e+00, v10;
	(erf) = vpow2.f32 v2  }
0x1b5: {  	v11 =	vld [tilespmem:s22+$0xFFFFFFB0];
	v7 =	vmul.f32 v7, v1;
	[tilespmem:s21+$0xFFFFFF70] =	vst v5;
	v2 =	vpop (erf);
	(erf) = vpow2.f32 v9  }
0x1b6: {  	v5 =	vadd.f32 v8, v0;
	[tilespmem:s21+$0x0] =	vst v2;
	v4 =	vmul.f32 $1.442695020e+00, v4;
	v2 =	vmul.f32 v16, v1;
	v9 =	vld [tilespmem:s22+$0x60];
	v8 =	vpop (erf)  }
0x1b7: {  	v12 =	vmul.f32 v12, v1;
	(erf) = vpow2.f32 v6;
	[tilespmem:s21+$0xFFFFFF60] =	vst v8;
	v8 =	vpop (erf)  }
0x1b8: {  	v20 =	vld [tilespmem:s22+$0x30];
	v5 =	vmul.f32 $1.442695020e+00, v5;
	v14 =	vmul.f32 v14, v1;
	[tilespmem:s21+$0xFFFFFF10] =	vst v8;
	v6 =	vpop (erf)  }
0x1b9: {  	v16 =	vld [tilespmem:s22+$0x40];
	(erf) = vpow2.f32 v13;
	v8 =	vmul.f32 v3, v1;
	v3 =	vadd.f32 v15, v0;
	[tilespmem:s21+$0x60] =	vst v6;
	v15 =	vpop (erf)  }
0x1ba: {  	v7 =	vadd.f32 v7, v0;
	v11 =	vmul.f32 v11, v1;
	v6 =	vmul.f32 v18, v1;
	[tilespmem:s21+$0xFFFFFF00] =	vst v15;
	v15 =	vpop (erf)  }
0x1bb: {  	v18 =	vadd.f32 v62, v0;
	v8 =	vadd.f32 v8, v0;
	[tilespmem:s21+$0x70] =	vst v15;
	v13 =	vpop (erf);
	v15 =	vmul.f32 v9, v1  }
0x1bc: {  	v21 =	vmul.f32 $1.442695020e+00, v7;
	v63 =	vadd.f32 v11, v0;
	v11 =	vadd.f32 v14, v0;
	[tilespmem:s21+$0xFFFFFF50] =	vst v13;
	v13 =	vpop (erf)  }
0x1bd: {  	v14 =	vmul.f32 v20, v1;
	v9 =	vmul.f32 $1.442695020e+00, v8;
	v8 =	vadd.f32 v12, v0;
	[tilespmem:s21+$0xFFFFFF30] =	vst v13;
	v12 =	vpop (erf)  }
0x1be: {  	v16 =	vmul.f32 v16, v1;
	v7 =	vadd.f32 v15, v0;
	(erf) = vpow2.f32 v17;
	[tilespmem:s21+$0x40] =	vst v12;
	v12 =	vpop (erf)  }
0x1bf: {  	v13 =	vadd.f32 v2, v0;
	v2 =	vmul.f32 $1.442695020e+00, v18;
	(erf) = vpow2.f32 v10;
	[tilespmem:s21+$0x50] =	vst v12;
	v15 =	vpop (erf)  }
0x1c0: {  	s23 =	simm.s32 $0x10;
	v10 =	vmul.f32 $1.442695020e+00, v63;
	v12 =	vmul.f32 $1.442695020e+00, v7;
	[tilespmem:s21+$0x10] =	vst v15;
	v17 =	vpop (erf)  }
0x1c1: {  	s24 =	simm.s32 $0x14180;
	s25 =	simm.s32 $0x5100;
	v7 =	vadd.f32 v14, v0;
	v14 =	vadd.f32 v16, v0;
	(erf) = vpow2.f32 v21;
	v15 =	vld [tilespmem:s22+$0xFFFFFFC0];
	s22 =	simm.s32 $0x14180;
	[tilespmem:s21+$0xFFFFFF40] =	vst v17  }
.LBB2_18:
0x1c2: {  	v16 =	vld [tilespmem:s25+$0x20];
	s23 =	sadd.s32 $0x10, s23;
	v8 =	vmul.f32 $1.442695020e+00, v8;
	s24 =	sadd.s32 $0x200, s24;
	(erf) = vpow2.f32 v4  }
0x1c3: {  	v13 =	vmul.f32 $1.442695020e+00, v13;
	v6 =	vadd.f32 v6, v0;
	v4 =	vld [tilespmem:s25+$0x0];
	p0 =	slt.u32 s23, $0x4D0;
	(erf) = vpow2.f32 v5;
	v5 =	vpop (erf)  }
0x1c4: {  	v3 =	vmul.f32 $1.442695020e+00, v3;
	v17 =	vld [tilespmem:s25+$0xFFFFFFE0];
	(erf) = vpow2.f32 v9;
	[tilespmem:s21+$0xFFFFFF20] =	vst v5  }
0x1c5: {  	v5 =	vmul.f32 $1.442695020e+00, v11;
	v19 =	vmul.f32 $1.442695020e+00, v6;
	v18 =	vld [tilespmem:s25+$0x40]  }
0x1c6: {  	v9 =	vld [tilespmem:s25+$0x50];
	v11 =	vmul.f32 v15, v1;
	(erf) = vpow2.f32 v12  }
0x1c7: {  	v12 =	vld [tilespmem:s25+$0xFFFFFFD0];
	v15 =	vmul.f32 v16, v1;
	(erf) = vpow2.f32 v5  }
0x1c8: {  	v14 =	vmul.f32 $1.442695020e+00, v14;
	v5 =	vld [tilespmem:s25+$0xFFFFFFF0];
	v11 =	vadd.f32 v11, v0;
	(erf) = vpow2.f32 v19;
	v6 =	vpop (erf)  }
0x1c9: {  	v7 =	vmul.f32 $1.442695020e+00, v7;
	v16 =	vld [tilespmem:s25+$0xFFFFFF90];
	(erf) = vpow2.f32 v3;
	v3 =	vpop (erf);
	[tilespmem:s21+$0x30] =	vst v6;
	s21 =	smov.u32 s22;
	s22 =	smov.u32 s24  }
0x1ca: {  	v6 =	vmul.f32 v17, v1;
	v17 =	vld [tilespmem:s25+$0x10];
	[tilespmem:s21+$0x20] =	vst v3;
	(erf) = vpow2.f32 v10;
	v3 =	vpop (erf)  }
0x1cb: {  	v4 =	vmul.f32 v4, v1;
	v10 =	vld [tilespmem:s25+$0xFFFFFF80];
	[tilespmem:s21+$0xFFFFFF70] =	vst v3;
	v3 =	vpop (erf);
	(erf) = vpow2.f32 v14  }
0x1cc: {  	v15 =	vadd.f32 v15, v0;
	v11 =	vmul.f32 $1.442695020e+00, v11;
	v14 =	vld [tilespmem:s25+$0xFFFFFFB0];
	v12 =	vmul.f32 v12, v1;
	[tilespmem:s21+$0x0] =	vst v3;
	v3 =	vpop (erf)  }
0x1cd: {  	v4 =	vadd.f32 v4, v0;
	v19 =	vmul.f32 v5, v1;
	v20 =	vld [tilespmem:s25+$0x70];
	[tilespmem:s21+$0xFFFFFF60] =	vst v3;
	v3 =	vpop (erf);
	(erf) = vpow2.f32 v13  }
0x1ce: {  	v15 =	vmul.f32 $1.442695020e+00, v15;
	v5 =	vadd.f32 v6, v0;
	v13 =	vld [tilespmem:s25+$0xFFFFFFA0];
	[tilespmem:s21+$0xFFFFFF10] =	vst v3;
	(erf) = vpow2.f32 v8  }
0x1cf: {  	v4 =	vmul.f32 $1.442695020e+00, v4;
	v3 =	vadd.f32 v12, v0;
	v12 =	vmul.f32 v9, v1;
	v8 =	vld [tilespmem:s25+$0x60];
	v6 =	vpop (erf)  }
0x1d0: {  	v5 =	vmul.f32 $1.442695020e+00, v5;
	[tilespmem:s21+$0x60] =	vst v6;
	v6 =	vpop (erf);
	(erf) = vpow2.f32 v11  }
0x1d1: {  	v9 =	vmul.f32 v16, v1;
	v10 =	vmul.f32 v10, v1;
	[tilespmem:s21+$0xFFFFFF00] =	vst v6;
	v11 =	vpop (erf)  }
0x1d2: {  	v16 =	vmul.f32 v17, v1;
	v17 =	vld [tilespmem:s25+$0x30];
	v6 =	vmul.f32 v20, v1;
	[tilespmem:s21+$0x70] =	vst v11;
	v11 =	vpop (erf)  }
0x1d3: {  	v9 =	vadd.f32 v9, v0;
	v22 =	vmul.f32 v13, v1;
	[tilespmem:s21+$0xFFFFFF50] =	vst v11;
	(erf) = vpow2.f32 v2;
	v2 =	vpop (erf)  }
0x1d4: {  	v11 =	vmul.f32 v14, v1;
	v14 =	vadd.f32 v19, v0;
	v19 =	vmul.f32 v8, v1;
	[tilespmem:s21+$0xFFFFFF30] =	vst v2;
	v2 =	vpop (erf)  }
0x1d5: {  	v9 =	vmul.f32 $1.442695020e+00, v9;
	v8 =	vadd.f32 v16, v0;
	v20 =	vadd.f32 v22, v0;
	[tilespmem:s21+$0x40] =	vst v2  }
.Ltmp13:
0x1d6: {  	v16 =	vadd.f32 v11, v0;
	v21 =	vmul.f32 $1.442695020e+00, v14;
	v2 =	vadd.f32 v19, v0;
	v13 =	vpop (erf);
	(pc) =	sbr.rel @p0 .LBB2_18-.Ltmp13, $4  }
0x1d7: {  	v11 =	vadd.f32 v10, v0;
	v14 =	vmul.f32 v18, v1;
	v10 =	vmul.f32 v17, v1;
	[tilespmem:s21+$0x50] =	vst v13;
	v17 =	vpop (erf)  }
0x1d8: {  	v13 =	vadd.f32 v12, v0;
	v12 =	vmul.f32 $1.442695020e+00, v2;
	[tilespmem:s21+$0x10] =	vst v17;
	(erf) = vpow2.f32 v7  }
0x1d9: {  	v2 =	vmul.f32 $1.442695020e+00, v20;
	v7 =	vadd.f32 v10, v0;
	(erf) = vpow2.f32 v15;
	v17 =	vpop (erf)  }
0x1da: {  	v14 =	vadd.f32 v14, v0;
	v10 =	vmul.f32 $1.442695020e+00, v16;
	v15 =	vld [tilespmem:s25+$0xFFFFFFC0];
	s25 =	sadd.s32 $0x100, s25;
	(erf) = vpow2.f32 v21;
	[tilespmem:s21+$0xFFFFFF40] =	vst v17  }
0x1db: {  	(erf) = vpow2.f32 v4  }
0x1dc: {  	v53 =	vadd.f32 v6, v0;
	v54 =	vmul.f32 $1.442695020e+00, v11;
	(erf) = vpow2.f32 v5  }
0x1dd: {  	v3 =	vmul.f32 $1.442695020e+00, v3;
	(erf) = vpow2.f32 v9  }
0x1de: {  	v4 =	vmul.f32 $1.442695020e+00, v53;
	(erf) = vpow2.f32 v12  }
0x1df: {  	v57 =	vmul.f32 $1.442695020e+00, v14;
	(erf) = vpow2.f32 v54  }
0x1e0: {  	v55 =	vpop (erf);
	v56 =	vmul.f32 v15, v1;
	(erf) = vpow2.f32 v4  }
0x1e1: {  	[tilespmem:s21+$0xFFFFFF20] =	vst v55;
	v58 =	vpop (erf);
	(erf) = vpow2.f32 v3;
	v3 =	vmul.f32 $1.442695020e+00, v13  }
0x1e2: {  	v6 =	vadd.f32 v56, v0;
	v59 =	vpop (erf);
	[tilespmem:s21+$0x30] =	vst v58;
	(erf) = vpow2.f32 v10  }
0x1e3: {  	v60 =	vmul.f32 $1.442695020e+00, v8;
	[tilespmem:s22+$0x20] =	vst v59;
	v61 =	vpop (erf);
	(erf) = vpow2.f32 v57  }
0x1e4: {  	v6 =	vmul.f32 $1.442695020e+00, v6;
	[tilespmem:s22+$0xFFFFFF70] =	vst v61;
	v62 =	vpop (erf);
	(erf) = vpow2.f32 v3  }
0x1e5: {  	[tilespmem:s22+$0x0] =	vst v62;
	v3 =	vpop (erf);
	(erf) = vpow2.f32 v60  }
0x1e6: {  	v63 =	vmul.f32 $1.442695020e+00, v7;
	[tilespmem:s22+$0xFFFFFF60] =	vst v3;
	v3 =	vpop (erf);
	(erf) = vpow2.f32 v6  }
0x1e7: {  	[tilespmem:s22+$0xFFFFFF10] =	vst v3;
	v3 =	vpop (erf);
	(erf) = vpow2.f32 v2  }
0x1e8: {  	[tilespmem:s22+$0x60] =	vst v3;
	v2 =	vpop (erf);
	(erf) = vpow2.f32 v63  }
0x1e9: {  	[tilespmem:s22+$0xFFFFFF00] =	vst v2;
	v2 =	vpop (erf)  }
0x1ea: {  	[tilespmem:s22+$0x70] =	vst v2;
	v2 =	vpop (erf)  }
0x1eb: {  	[tilespmem:s22+$0xFFFFFF50] =	vst v2;
	v2 =	vpop (erf)  }
0x1ec: {  	[tilespmem:s22+$0xFFFFFF30] =	vst v2;
	v2 =	vpop (erf)  }
0x1ed: {  	[tilespmem:s22+$0x40] =	vst v2;
	v2 =	vpop (erf)  }
0x1ee: {  	[tilespmem:s22+$0x50] =	vst v2;
	v2 =	vpop (erf)  }
0x1ef: {  	[tilespmem:s22+$0x10] =	vst v2;
	v2 =	vpop (erf)  }
0x1f0: {  	[tilespmem:s22+$0xFFFFFF40] =	vst v2;
	v2 =	vpop (erf)  }
0x1f1: {  	[tilespmem:s22+$0xFFFFFF20] =	vst v2;
	v2 =	vpop (erf)  }
0x1f2: {  	s21 =	simm.s32 $0x0;
	[tilespmem:s22+$0x30] =	vst v2  }
.LBB2_20:
0x1f3: {  	s22 =	sshra.s32 s21, $0x2  }
0x1f4: {  	v2 =	vld [tilespmem:s22+$0x9C80];
	_ =	sdelay $0x4  }
0x1f5: {  	v2 =	vmul.f32 v2, v1;
	_ =	sdelay $0x1  }
0x1f6: {  	v2 =	vadd.f32 v2, v0;
	_ =	sdelay $0x1  }
0x1f7: {  	v2 =	vmul.f32 $1.442695020e+00, v2;
	_ =	sdelay $0x1  }
0x1f8: {  	(erf) = vpow2.f32 v2;
	_ =	sdelay $0x4  }
0x1f9: {  	p0 =	sne.s32 s21, $0x40  }
.Ltmp14:
0x1fa: {  	_ = 	snop;
	(pc) =	sbr.rel @p0 .LBB2_20-.Ltmp14, $3  }
0x1fb: {  	_ =	sdelay $0x1  }
0x1fc: {  	v2 =	vpop (erf)  }
0x1fd: {  	s21 =	sadd.s32 $0x40, s21;
	[tilespmem:s22+$0x1DA80] =	vst v2  }
.Ltmp15:
0x1fe: {  	(pc) =	sbr.rel .LBB2_22-.Ltmp15, $3  }
0x1ff: {  	s20 =	smul.u32 $0x13A0, s20;
	_ =	sdelay $0x1  }
0x200: {  	s20 =	sadd.s32 s3, s20  }
0x201: {  	[hbm4b:s20+s4] =	stream.linear.scatter [tilespmem:s14], [sflag:$0x2], $0x9D00, $0x38;
	[tilespmem:$0x1DB00] =	vst v63  }
.LBB2_24:
0x202: {  	_ =	sfence.sel $0x180000  }
0x203: {  	[bflag:$0x0] =	sbarrier.arrive $0xFFFF  }
0x204: {  	p0 =	sne.s32 s2, $0x0;
	_ =	strace $0x90000047  }
0x205: {  	s0 =	sadd.s32 @!p0 $0x100000, s0;
	[bflag:$0x2] =	sbarrier.arrive $0xFFFF  }
0x206: {  	[sflag:s0] =	ssyncadd.tile.s32 @!p0 $0x1;
	_ =	shalt  }
.Lfunc_end2:
_tile_overlayer_lowered:
.L_overlay_start_2:
0x207: {  	(tag) =	ssettag $0x2  }
0x208: {  	s0 =	rddreg [dreg:$0x0];
	s2 =	stileid.u32  }
0x209: {  	s1 =	rddreg [dreg:$0x1];
	p0 =	sne.s32 s2, $0x0  }
0x20a: {  	s3 =	rddreg [dreg:$0x2];
	[bflag:$0x3] =	sbarrier.arrive $0xFFFF;
	s2 =	simm.s32 @!p0 $0x1C03  }
0x20b: {  	[timem:s3], [sflag:s2] =	dma.local @!p0 [hbm:s0], s1  }
0x20c: {  	s0 =	simm.s32 @!p0 $0x3  }
0x20d: {  	_ =	swait.ge @!p0 [sflag:s0], s1  }
0x20e: {  	s1 =	ssub.s32 @!p0 $0x0, s1;
	[sflag:s0] =	ssyncset.done @!p0 $0x0  }
0x20f: {  	[sflag:s0] =	ssyncadd.s32 @!p0 s1  }
0x210: {  	[bflag:$0x3] =	sbarrier.arrive $0xFFFF  }
0x211: {  	_ =	shalt  }

</sc_bundles>
